<compile_context>
chip_gen: v7x
topology: tpu7x:2x2x1
jax: 0.10.2.dev20260603
libtpu: 0.0.44.dev20260713+nightly
codegen_flags: <defaults>
</compile_context>

<pallas_src>
import functools

import jax
import jax.numpy as jnp
from jax import lax
from jax.experimental import pallas as pl
from jax.experimental.pallas import tpu as pltpu
from jax.experimental.pallas import tpu_sc as plsc

NUM_SC = 2
NUM_TILES = 16
NUM_WORKERS = NUM_SC * NUM_TILES
CHUNK = 80
LANES = 16


def _sc_mesh():
    return plsc.VectorSubcoreMesh(core_axis_name="c", subcore_axis_name="s")


def _sc_degree(dst3, n_nodes):
    n_chunks = dst3.shape[1]
    assert n_nodes % LANES == 0

    @functools.partial(
        pl.kernel,
        out_type=jax.ShapeDtypeStruct((NUM_SC, n_nodes), jnp.float32),
        mesh=_sc_mesh(),
        scratch_types=[
            pltpu.VMEM((n_nodes,), jnp.float32),
            pltpu.VMEM((n_chunks, CHUNK), jnp.int32),
            pltpu.VMEM((CHUNK,), jnp.float32),
            pltpu.VMEM_SHARED((n_nodes,), jnp.float32),
        ],
    )
    def deg_kernel(dst_hbm, out_hbm, zbuf, idx_v, ones_v, acc):
        c = lax.axis_index("c")
        s = lax.axis_index("s")
        wid = c * NUM_TILES + s

        pltpu.sync_copy(dst_hbm.at[wid], idx_v)

        def fill_ones(i, carry):
            ones_v[pl.ds(i * LANES, LANES)] = jnp.ones((LANES,), jnp.float32)
            return carry

        lax.fori_loop(0, CHUNK // LANES, fill_ones, 0)

        @pl.when(s == 0)
        def _zero():
            def zz(i, carry):
                zbuf[pl.ds(i * LANES, LANES)] = jnp.zeros((LANES,), jnp.float32)
                return carry

            lax.fori_loop(0, n_nodes // LANES, zz, 0)
            pltpu.sync_copy(zbuf, acc)

        plsc.subcore_barrier()

        def body(i, carry):
            pltpu.sync_copy(ones_v, acc.at[idx_v.at[i]], add=True)
            return carry

        lax.fori_loop(0, n_chunks, body, 0)
        plsc.subcore_barrier()

        @pl.when(s == 0)
        def _writeout():
            pltpu.sync_copy(acc, out_hbm.at[c])

    return deg_kernel(dst3)


def _sc_aggregate(hs, src3, dst3):
    n_nodes, d = hs.shape
    n_chunks = dst3.shape[1]
    rpt = (n_nodes // NUM_TILES) // 8 * 8
    tail = n_nodes - rpt * NUM_TILES
    zr = 16
    assert rpt % zr == 0 and tail % 8 == 0 and tail <= zr

    @functools.partial(
        pl.kernel,
        out_type=jax.ShapeDtypeStruct((NUM_SC, n_nodes, d), jnp.float32),
        mesh=_sc_mesh(),
        scratch_types=[
            pltpu.VMEM((zr, d), jnp.float32),
            pltpu.VMEM((n_chunks * CHUNK,), jnp.int32),
            pltpu.VMEM((n_chunks, CHUNK), jnp.int32),
            pltpu.VMEM((CHUNK, d), jnp.float32),
            pltpu.VMEM((CHUNK, d), jnp.float32),
            pltpu.VMEM_SHARED((n_nodes, d), jnp.float32),
            pltpu.SemaphoreType.DMA,
            pltpu.SemaphoreType.DMA,
            pltpu.SemaphoreType.DMA,
            pltpu.SemaphoreType.DMA,
        ],
    )
    def agg_kernel(hs_hbm, src_hbm, dst_hbm, out_hbm,
                   zbuf, sidx, didx, rows0, rows1, acc, sem0, sem1, ssem0, ssem1):
        c = lax.axis_index("c")
        s = lax.axis_index("s")
        wid = c * NUM_TILES + s

        pltpu.sync_copy(src_hbm.at[wid], sidx)
        pltpu.sync_copy(dst_hbm.at[wid], didx)

        cols = d // LANES

        def zrow(i, carry):
            r = i // cols
            col = i % cols
            zbuf[r, pl.ds(col * LANES, LANES)] = jnp.zeros((LANES,), jnp.float32)
            return carry

        lax.fori_loop(0, zr * cols, zrow, 0)

        def zcopy(j, carry):
            pltpu.async_copy(zbuf, acc.at[pl.ds(s * rpt + j * zr, zr)], sem0)
            return carry

        lax.fori_loop(0, rpt // zr, zcopy, 0)

        @pl.when(s == NUM_TILES - 1)
        def _ztail():
            pltpu.sync_copy(zbuf.at[pl.ds(0, tail)],
                            acc.at[pl.ds(NUM_TILES * rpt, tail)])

        def zdrain(j, carry):
            pltpu.make_async_copy(
                zbuf, acc.at[pl.ds(s * rpt + j * zr, zr)], sem0).wait()
            return carry

        lax.fori_loop(0, rpt // zr, zdrain, 0)
        plsc.subcore_barrier()

        pltpu.async_copy(hs_hbm.at[sidx.at[pl.ds(0, CHUNK)]], rows0, sem0)
        assert n_chunks % 2 == 1

        def _gath(i, rows, sem):
            pltpu.async_copy(
                hs_hbm.at[sidx.at[pl.ds(i * CHUNK, CHUNK)]], rows, sem)

        def _gath_wait(i, rows, sem):
            pltpu.make_async_copy(
                hs_hbm.at[sidx.at[pl.ds(i * CHUNK, CHUNK)]], rows, sem).wait()

        def _scat(i, rows, sem):
            pltpu.async_copy(rows, acc.at[didx.at[i]], sem, add=True)

        def _scat_wait(i, rows, sem):
            pltpu.make_async_copy(rows, acc.at[didx.at[i]], sem).wait()

        @pl.loop(0, n_chunks - 1, step=2)
        def _pair(i):
            @pl.when(i > 0)
            def _():
                _scat_wait(i - 1, rows1, ssem1)
            _gath(i + 1, rows1, sem1)
            _gath_wait(i, rows0, sem0)
            _scat(i, rows0, ssem0)
            _scat_wait(i, rows0, ssem0)
            _gath(i + 2, rows0, sem0)
            _gath_wait(i + 1, rows1, sem1)
            _scat(i + 1, rows1, ssem1)

        _gath_wait(n_chunks - 1, rows0, sem0)
        _scat(n_chunks - 1, rows0, ssem0)
        _scat_wait(n_chunks - 2, rows1, ssem1)
        _scat_wait(n_chunks - 1, rows0, ssem0)
        plsc.subcore_barrier()

        pltpu.sync_copy(acc.at[pl.ds(s * rpt, rpt)],
                        out_hbm.at[c, pl.ds(s * rpt, rpt)])

        @pl.when(s == NUM_TILES - 1)
        def _wtail():
            pltpu.sync_copy(acc.at[pl.ds(NUM_TILES * rpt, tail)],
                            out_hbm.at[c, pl.ds(NUM_TILES * rpt, tail)])

    return agg_kernel(hs, src3, dst3)


def _tc_matmul_scale(x, w, dinv2):
    n, din = x.shape
    dh = w.shape[1]
    br = 2000

    def body(x_ref, w_ref, d_ref, o_ref):
        o_ref[...] = jnp.dot(
            x_ref[...], w_ref[...], preferred_element_type=jnp.float32
        ) * d_ref[...]

    return pl.pallas_call(
        body,
        grid=(n // br,),
        in_specs=[
            pl.BlockSpec((br, din), lambda i: (i, 0)),
            pl.BlockSpec((din, dh), lambda i: (0, 0)),
            pl.BlockSpec((br, 1), lambda i: (i, 0)),
        ],
        out_specs=pl.BlockSpec((br, dh), lambda i: (i, 0)),
        out_shape=jax.ShapeDtypeStruct((n, dh), jnp.float32),
    )(x, w, dinv2)


def _tc_scale(h, dinv2):
    n, d = h.shape
    br = 2000

    def body(h_ref, d_ref, o_ref):
        o_ref[...] = h_ref[...] * d_ref[...]

    return pl.pallas_call(
        body,
        grid=(n // br,),
        in_specs=[
            pl.BlockSpec((br, d), lambda i: (i, 0)),
            pl.BlockSpec((br, 1), lambda i: (i, 0)),
        ],
        out_specs=pl.BlockSpec((br, d), lambda i: (i, 0)),
        out_shape=jax.ShapeDtypeStruct((n, d), jnp.float32),
    )(h, dinv2)


def _tc_combine_relu_matmul(parts, hs, dinv2, b2d, w):
    n, d = hs.shape
    dh = w.shape[1]
    br = 2000

    def body(p_ref, hs_ref, d_ref, b_ref, w_ref, o_ref):
        t = (p_ref[0] + p_ref[1] + hs_ref[...]) * d_ref[...] + b_ref[...]
        t = jnp.maximum(t, 0.0)
        o_ref[...] = jnp.dot(
            t, w_ref[...], preferred_element_type=jnp.float32
        ) * d_ref[...]

    return pl.pallas_call(
        body,
        grid=(n // br,),
        in_specs=[
            pl.BlockSpec((2, br, d), lambda i: (0, i, 0)),
            pl.BlockSpec((br, d), lambda i: (i, 0)),
            pl.BlockSpec((br, 1), lambda i: (i, 0)),
            pl.BlockSpec((1, d), lambda i: (0, 0)),
            pl.BlockSpec((d, dh), lambda i: (0, 0)),
        ],
        out_specs=pl.BlockSpec((br, dh), lambda i: (i, 0)),
        out_shape=jax.ShapeDtypeStruct((n, dh), jnp.float32),
    )(parts, hs, dinv2, b2d, w)


def _tc_combine_final(parts, hs, dinv2, b2d):
    n, d = hs.shape
    br = 2000

    def body(p_ref, hs_ref, d_ref, b_ref, o_ref):
        o_ref[...] = (p_ref[0] + p_ref[1] + hs_ref[...]) * d_ref[...] + b_ref[...]

    return pl.pallas_call(
        body,
        grid=(n // br,),
        in_specs=[
            pl.BlockSpec((2, br, d), lambda i: (0, i, 0)),
            pl.BlockSpec((br, d), lambda i: (i, 0)),
            pl.BlockSpec((br, 1), lambda i: (i, 0)),
            pl.BlockSpec((1, d), lambda i: (0, 0)),
        ],
        out_specs=pl.BlockSpec((br, d), lambda i: (i, 0)),
        out_shape=jax.ShapeDtypeStruct((n, d), jnp.float32),
    )(parts, hs, dinv2, b2d)


def kernel(x, edge_index, W1, b1, W2, b2):
    n = x.shape[0]
    e = edge_index.shape[1]
    epw = e // NUM_WORKERS
    n_chunks = epw // CHUNK
    assert epw * NUM_WORKERS == e and n_chunks * CHUNK == epw
    src = edge_index[0].astype(jnp.int32).reshape(NUM_WORKERS, epw)
    dst = edge_index[1].astype(jnp.int32).reshape(NUM_WORKERS, n_chunks, CHUNK)

    deg_parts = _sc_degree(dst, n)
    deg = deg_parts[0] + deg_parts[1] + 1.0
    dinv2 = lax.rsqrt(deg)[:, None]

    b1r = b1[None, :]
    b2r = b2[None, :]

    h1s = _tc_matmul_scale(x, W1, dinv2)
    p1 = _sc_aggregate(h1s, src, dst)
    h2s = _tc_combine_relu_matmul(p1, h1s, dinv2, b1r, W2)
    p2 = _sc_aggregate(h2s, src, dst)
    out = _tc_combine_final(p2, h2s, dinv2, b2r)
    return out

# --- scband reference (transcript-rebuilt; emitter-appended) ---
"""Pipeline reference for scband-gcn-39633958207778 (READ-ONLY COPY).

The authoritative reference and input builder live on the scoring server;
editing this copy changes nothing except your own understanding.
"""

import jax, jax.numpy as jnp
import numpy as np


def gcn_conv(x, edge_index, W, b):
    # Faithful GCNConv: add self-loops, symmetric degree normalization,
    # linear transform, scatter-add aggregation, then bias.
    N = x.shape[0]
    loop = jnp.arange(N, dtype=edge_index.dtype)
    src = jnp.concatenate([edge_index[0], loop])
    dst = jnp.concatenate([edge_index[1], loop])
    h = x @ W
    deg = jnp.zeros((N,), dtype=h.dtype).at[dst].add(1.0)
    dinv = jnp.where(deg > 0, deg ** -0.5, 0.0)
    norm = dinv[src] * dinv[dst]
    msgs = h[src] * norm[:, None]
    out = jnp.zeros_like(h).at[dst].add(msgs)
    return out + b


def setup_inputs(seed: int = 0) -> dict:
    key = jax.random.key(seed)
    k1, k2, k3, k4, k5, k6 = jax.random.split(key, 6)
    N, E = 10000, 320000
    din, dh, dout = 128, 128, 128
    x = jax.random.normal(k1, (N, din), dtype=jnp.float32)
    edge_index = jax.random.randint(k2, (2, E), 0, N).astype(jnp.int64)
    s1 = float(np.sqrt(6.0 / (din + dh)))
    s2 = float(np.sqrt(6.0 / (dh + dout)))
    W1 = jax.random.uniform(k3, (din, dh), minval=-s1, maxval=s1, dtype=jnp.float32)
    b1 = jnp.zeros((dh,), dtype=jnp.float32)
    W2 = jax.random.uniform(k4, (dh, dout), minval=-s2, maxval=s2, dtype=jnp.float32)
    b2 = jnp.zeros((dout,), dtype=jnp.float32)
    return {"x": x, "edge_index": edge_index, "W1": W1, "b1": b1, "W2": W2, "b2": b2}


def reference(x, edge_index, W1, b1, W2, b2):
    h = gcn_conv(x, edge_index, W1, b1)
    h = jax.nn.relu(h)
    out = gcn_conv(h, edge_index, W2, b2)
    return out

if __name__ == "__main__":
    import jax
    _d = setup_inputs()
    print(jax.jit(kernel)(*tuple(_d.values())))

</pallas_src>

<mosaic_0001>
#map = affine_map<(d0, d1) -> (0, 0)>
#map1 = affine_map<(d0, d1) -> (0, 0, 0)>
module attributes {stable_mosaic.version = 14 : i64} {
  func.func @agg_kernel(%arg0: i32, %arg1: i32, %arg2: memref<10000x128xf32, #tpu.memory_space<hbm>>, %arg3: memref<32x10000xi32, #tpu.memory_space<hbm>>, %arg4: memref<32x125x80xi32, #tpu.memory_space<hbm>>, %arg5: memref<2x10000x128xf32, #tpu.memory_space<hbm>>, %arg6: memref<16x128xf32, #tpu.memory_space<vmem>>, %arg7: memref<10000xi32, #tpu.memory_space<vmem>>, %arg8: memref<125x80xi32, #tpu.memory_space<vmem>>, %arg9: memref<80x128xf32, #tpu.memory_space<vmem>>, %arg10: memref<80x128xf32, #tpu.memory_space<vmem>>, %arg11: memref<10000x128xf32, #tpu.memory_space<vmem_shared>>, %arg12: memref<!tpu.dma_semaphore, #tpu.memory_space<semaphore_mem>>, %arg13: memref<!tpu.dma_semaphore, #tpu.memory_space<semaphore_mem>>, %arg14: memref<!tpu.dma_semaphore, #tpu.memory_space<semaphore_mem>>, %arg15: memref<!tpu.dma_semaphore, #tpu.memory_space<semaphore_mem>>) attributes {dimension_semantics = [#tpu.dimension_semantics<core_parallel>, #tpu.dimension_semantics<subcore_parallel>], iteration_bounds = array<i64: 2, 16>, scalar_prefetch = 0 : i64, scratch_operands = 10 : i64, tpu.core_type = #tpu.core_type<sc_vector_subcore>, window_params = [{transform_indices = #map}, {transform_indices = #map}, {transform_indices = #map1}, {transform_indices = #map1}]} {
    %mul3A = arith.constant 16 : i32
    %mul3A_0 = arith.muli %arg0, %mul3A : i32
    %add3A = arith.addi %mul3A_0, %arg1 : i32
    "tpu.region"() ({
      %run_scoped3A = tpu.sem_alloc : memref<!tpu.dma_semaphore, #tpu.memory_space<semaphore_mem>>
      %dma_start3A_64 = arith.constant 0 : i32
      %dma_start3A_65 = tpu.memref_slice %arg3[%add3A, %dma_start3A_64] : memref<32x10000xi32, #tpu.memory_space<hbm>> -> memref<1x10000xi32, #tpu.memory_space<hbm>>
      %dma_start3A_66 = tpu.memref_squeeze %dma_start3A_65 : memref<1x10000xi32, #tpu.memory_space<hbm>> -> memref<10000xi32, #tpu.memory_space<hbm>>
      %dma_start3A_67 = arith.constant 0 : i32
      %dma_start3A_68 = tpu.memref_slice %arg3[%add3A, %dma_start3A_67] : memref<32x10000xi32, #tpu.memory_space<hbm>> -> memref<1x10000xi32, #tpu.memory_space<hbm>>
      %dma_start3A_69 = tpu.memref_squeeze %dma_start3A_68 : memref<1x10000xi32, #tpu.memory_space<hbm>> -> memref<10000xi32, #tpu.memory_space<hbm>>
      tpu.enqueue_dma source(%dma_start3A_69 : memref<10000xi32, #tpu.memory_space<hbm>>) target(%arg7 : memref<10000xi32, #tpu.memory_space<vmem>>) target_semaphore(%run_scoped3A : memref<!tpu.dma_semaphore, #tpu.memory_space<semaphore_mem>>)
      %dma_wait3A_70 = arith.constant 0 : i32
      %dma_wait3A_71 = tpu.memref_slice %arg3[%add3A, %dma_wait3A_70] : memref<32x10000xi32, #tpu.memory_space<hbm>> -> memref<1x10000xi32, #tpu.memory_space<hbm>>
      %dma_wait3A_72 = tpu.memref_squeeze %dma_wait3A_71 : memref<1x10000xi32, #tpu.memory_space<hbm>> -> memref<10000xi32, #tpu.memory_space<hbm>>
      %dma_wait3A_73 = arith.constant 0 : i32
      %dma_wait3A_74 = tpu.memref_slice %arg3[%add3A, %dma_wait3A_73] : memref<32x10000xi32, #tpu.memory_space<hbm>> -> memref<1x10000xi32, #tpu.memory_space<hbm>>
      %dma_wait3A_75 = tpu.memref_squeeze %dma_wait3A_74 : memref<1x10000xi32, #tpu.memory_space<hbm>> -> memref<10000xi32, #tpu.memory_space<hbm>>
      tpu.wait_dma2 semaphore(%run_scoped3A : memref<!tpu.dma_semaphore, #tpu.memory_space<semaphore_mem>>) src(%dma_wait3A_75 : memref<10000xi32, #tpu.memory_space<hbm>>) dst(%arg7 : memref<10000xi32, #tpu.memory_space<vmem>>)
      tpu.yield
    }) : () -> ()
    "tpu.region"() ({
      %run_scoped3A = tpu.sem_alloc : memref<!tpu.dma_semaphore, #tpu.memory_space<semaphore_mem>>
      %dma_start3A_64 = arith.constant 0 : i32
      %dma_start3A_65 = arith.constant 0 : i32
      %dma_start3A_66 = tpu.memref_slice %arg4[%add3A, %dma_start3A_64, %dma_start3A_65] : memref<32x125x80xi32, #tpu.memory_space<hbm>> -> memref<1x125x80xi32, #tpu.memory_space<hbm>>
      %dma_start3A_67 = tpu.memref_squeeze %dma_start3A_66 : memref<1x125x80xi32, #tpu.memory_space<hbm>> -> memref<125x80xi32, #tpu.memory_space<hbm>>
      %dma_start3A_68 = arith.constant 0 : i32
      %dma_start3A_69 = arith.constant 0 : i32
      %dma_start3A_70 = tpu.memref_slice %arg4[%add3A, %dma_start3A_68, %dma_start3A_69] : memref<32x125x80xi32, #tpu.memory_space<hbm>> -> memref<1x125x80xi32, #tpu.memory_space<hbm>>
      %dma_start3A_71 = tpu.memref_squeeze %dma_start3A_70 : memref<1x125x80xi32, #tpu.memory_space<hbm>> -> memref<125x80xi32, #tpu.memory_space<hbm>>
      tpu.enqueue_dma source(%dma_start3A_71 : memref<125x80xi32, #tpu.memory_space<hbm>>) target(%arg8 : memref<125x80xi32, #tpu.memory_space<vmem>>) target_semaphore(%run_scoped3A : memref<!tpu.dma_semaphore, #tpu.memory_space<semaphore_mem>>)
      %dma_wait3A_72 = arith.constant 0 : i32
      %dma_wait3A_73 = arith.constant 0 : i32
      %dma_wait3A_74 = tpu.memref_slice %arg4[%add3A, %dma_wait3A_72, %dma_wait3A_73] : memref<32x125x80xi32, #tpu.memory_space<hbm>> -> memref<1x125x80xi32, #tpu.memory_space<hbm>>
      %dma_wait3A_75 = tpu.memref_squeeze %dma_wait3A_74 : memref<1x125x80xi32, #tpu.memory_space<hbm>> -> memref<125x80xi32, #tpu.memory_space<hbm>>
      %dma_wait3A_76 = arith.constant 0 : i32
      %dma_wait3A_77 = arith.constant 0 : i32
      %dma_wait3A_78 = tpu.memref_slice %arg4[%add3A, %dma_wait3A_76, %dma_wait3A_77] : memref<32x125x80xi32, #tpu.memory_space<hbm>> -> memref<1x125x80xi32, #tpu.memory_space<hbm>>
      %dma_wait3A_79 = tpu.memref_squeeze %dma_wait3A_78 : memref<1x125x80xi32, #tpu.memory_space<hbm>> -> memref<125x80xi32, #tpu.memory_space<hbm>>
      tpu.wait_dma2 semaphore(%run_scoped3A : memref<!tpu.dma_semaphore, #tpu.memory_space<semaphore_mem>>) src(%dma_wait3A_79 : memref<125x80xi32, #tpu.memory_space<hbm>>) dst(%arg8 : memref<125x80xi32, #tpu.memory_space<vmem>>)
      tpu.yield
    }) : () -> ()
    %scan3A = arith.constant 0 : i32
    %scan3A_1 = arith.constant 0 : i32
    %scan3A_2 = arith.constant 128 : i32
    %scan3A_3 = arith.addi %scan3A_1, %scan3A_2 : i32
    %scan3A_4 = arith.constant 1 : i32
    scf.for %scan3A_64 = %scan3A_1 to %scan3A_3 step %scan3A_4  : i32 {
      %jit3A = arith.constant 8 : i32
      %div3A = arith.divsi %scan3A_64, %jit3A : i32
      %sign3A = arith.constant 0 : i32
      %sign3A_65 = arith.cmpi sgt, %scan3A_64, %sign3A : i32
      %sign3A_66 = arith.extui %sign3A_65 : i1 to i32
      %sign3A_67 = arith.constant 0 : i32
      %sign3A_68 = arith.cmpi slt, %scan3A_64, %sign3A_67 : i32
      %sign3A_69 = arith.extui %sign3A_68 : i1 to i32
      %sign3A_70 = arith.subi %sign3A_66, %sign3A_69 : i32
      %sign3A_71 = arith.constant 0 : i32
      %sign3A_72 = arith.cmpi sgt, %jit3A, %sign3A_71 : i32
      %sign3A_73 = arith.extui %sign3A_72 : i1 to i32
      %sign3A_74 = arith.constant 0 : i32
      %sign3A_75 = arith.cmpi slt, %jit3A, %sign3A_74 : i32
      %sign3A_76 = arith.extui %sign3A_75 : i1 to i32
      %sign3A_77 = arith.subi %sign3A_73, %sign3A_76 : i32
      %ne3A = arith.cmpi ne, %sign3A_70, %sign3A_77 : i32
      %rem3A = arith.remsi %scan3A_64, %jit3A : i32
      %ne3A_78 = arith.constant 0 : i32
      %ne3A_79 = arith.cmpi ne, %rem3A, %ne3A_78 : i32
      %and3A = arith.andi %ne3A, %ne3A_79 : i1
      %sub3A = arith.constant 1 : i32
      %sub3A_80 = arith.subi %div3A, %sub3A : i32
      %select_n3A = arith.select %and3A, %sub3A_80, %div3A : i32
      %jit3A_81 = arith.constant 8 : i32
      %eq3A_82 = arith.constant 0 : i32
      %eq3A_83 = arith.cmpi eq, %jit3A_81, %eq3A_82 : i32
      %jit3A_84 = arith.constant 1 : i32
      %select_n3A_85 = arith.select %eq3A_83, %jit3A_84, %jit3A_81 : i32
      %rem3A_86 = arith.remsi %scan3A_64, %select_n3A_85 : i32
      %ne3A_87 = arith.constant 0 : i32
      %ne3A_88 = arith.cmpi ne, %rem3A_86, %ne3A_87 : i32
      %lt3A = arith.constant 0 : i32
      %lt3A_89 = arith.cmpi slt, %rem3A_86, %lt3A : i32
      %lt3A_90 = arith.constant 0 : i32
      %lt3A_91 = arith.cmpi slt, %select_n3A_85, %lt3A_90 : i32
      %ne3A_92 = arith.xori %lt3A_89, %lt3A_91 : i1
      %and3A_93 = arith.andi %ne3A_92, %ne3A_88 : i1
      %add3A_94 = arith.addi %rem3A_86, %select_n3A_85 : i32
      %select_n3A_95 = arith.select %and3A_93, %add3A_94, %rem3A_86 : i32
      %broadcast_in_dim3A = arith.constant 0.000000e+00 : f32
      %broadcast_in_dim3A_96 = vector.broadcast %broadcast_in_dim3A : f32 to vector<16xf32>
      %mul3A_97 = arith.constant 16 : i32
      %mul3A_98 = arith.muli %select_n3A_95, %mul3A_97 : i32
      %swap3A = arith.index_cast %select_n3A : i32 to index
      %swap3A_99 = arith.index_cast %mul3A_98 : i32 to index
      %swap3A_100 = tpu.vector_load %arg6[%swap3A, %swap3A_99] {strides = array<i32>} : memref<16x128xf32, #tpu.memory_space<vmem>>, vector<1x16xf32>,
      %swap3A_101 = vector.shape_cast %swap3A_100 : vector<1x16xf32> to vector<16xf32>
      %swap3A_102 = vector.shape_cast %broadcast_in_dim3A_96 : vector<16xf32> to vector<1x16xf32>
      tpu.vector_store %arg6[%swap3A, %swap3A_99], %swap3A_102 {strides = array<i32>} : memref<16x128xf32, #tpu.memory_space<vmem>>, vector<1x16xf32>,
    }
    %scan3A_5 = arith.constant 128 : i32
    %scan3A_6 = arith.constant 0 : i32
    %scan3A_7 = arith.constant 0 : i32
    %scan3A_8 = arith.constant 39 : i32
    %scan3A_9 = arith.addi %scan3A_7, %scan3A_8 : i32
    %scan3A_10 = arith.constant 1 : i32
    scf.for %scan3A_64 = %scan3A_7 to %scan3A_9 step %scan3A_10  : i32 {
      %mul3A_65 = arith.constant 624 : i32
      %mul3A_66 = arith.muli %arg1, %mul3A_65 : i32
      %mul3A_67 = arith.constant 16 : i32
      %mul3A_68 = arith.muli %scan3A_64, %mul3A_67 : i32
      %add3A_69 = arith.addi %mul3A_66, %mul3A_68 : i32
      %dma_start3A_70 = arith.constant 0 : i32
      %dma_start3A_71 = tpu.memref_slice %arg11[%add3A_69, %dma_start3A_70] : memref<10000x128xf32, #tpu.memory_space<vmem_shared>> -> memref<16x128xf32, #tpu.memory_space<vmem_shared>>
      %dma_start3A_72 = arith.constant 0 : i32
      %dma_start3A_73 = tpu.memref_slice %arg11[%add3A_69, %dma_start3A_72] : memref<10000x128xf32, #tpu.memory_space<vmem_shared>> -> memref<16x128xf32, #tpu.memory_space<vmem_shared>>
      tpu.enqueue_dma source(%arg6 : memref<16x128xf32, #tpu.memory_space<vmem>>) target(%dma_start3A_73 : memref<16x128xf32, #tpu.memory_space<vmem_shared>>) target_semaphore(%arg12 : memref<!tpu.dma_semaphore, #tpu.memory_space<semaphore_mem>>)
    }
    %scan3A_11 = arith.constant 39 : i32
    %eq3A = arith.constant 15 : i32
    %eq3A_12 = arith.cmpi eq, %arg1, %eq3A : i32
    %convert_element_type3A = arith.extui %eq3A_12 : i1 to i32
    %cond3A = arith.constant 0 : i32
    %cond3A_13 = arith.cmpi ne, %convert_element_type3A, %cond3A : i32
    scf.if %cond3A_13 {
      "tpu.region"() ({
        %run_scoped3A = tpu.sem_alloc : memref<!tpu.dma_semaphore, #tpu.memory_space<semaphore_mem>>
        %dma_start3A_64 = arith.constant 0 : i32
        %dma_start3A_65 = arith.constant 0 : i32
        %dma_start3A_66 = tpu.memref_slice %arg6[%dma_start3A_64, %dma_start3A_65] : memref<16x128xf32, #tpu.memory_space<vmem>> -> memref<16x128xf32, #tpu.memory_space<vmem>>
        %dma_start3A_67 = arith.constant 9984 : i32
        %dma_start3A_68 = arith.constant 0 : i32
        %dma_start3A_69 = tpu.memref_slice %arg11[%dma_start3A_67, %dma_start3A_68] : memref<10000x128xf32, #tpu.memory_space<vmem_shared>> -> memref<16x128xf32, #tpu.memory_space<vmem_shared>>
        %dma_start3A_70 = arith.constant 9984 : i32
        %dma_start3A_71 = arith.constant 0 : i32
        %dma_start3A_72 = tpu.memref_slice %arg11[%dma_start3A_70, %dma_start3A_71] : memref<10000x128xf32, #tpu.memory_space<vmem_shared>> -> memref<16x128xf32, #tpu.memory_space<vmem_shared>>
        %dma_start3A_73 = arith.constant 0 : i32
        %dma_start3A_74 = arith.constant 0 : i32
        %dma_start3A_75 = tpu.memref_slice %arg6[%dma_start3A_73, %dma_start3A_74] : memref<16x128xf32, #tpu.memory_space<vmem>> -> memref<16x128xf32, #tpu.memory_space<vmem>>
        tpu.enqueue_dma source(%dma_start3A_75 : memref<16x128xf32, #tpu.memory_space<vmem>>) target(%dma_start3A_72 : memref<16x128xf32, #tpu.memory_space<vmem_shared>>) target_semaphore(%run_scoped3A : memref<!tpu.dma_semaphore, #tpu.memory_space<semaphore_mem>>)
        %dma_wait3A_76 = arith.constant 0 : i32
        %dma_wait3A_77 = arith.constant 0 : i32
        %dma_wait3A_78 = tpu.memref_slice %arg6[%dma_wait3A_76, %dma_wait3A_77] : memref<16x128xf32, #tpu.memory_space<vmem>> -> memref<16x128xf32, #tpu.memory_space<vmem>>
        %dma_wait3A_79 = arith.constant 9984 : i32
        %dma_wait3A_80 = arith.constant 0 : i32
        %dma_wait3A_81 = tpu.memref_slice %arg11[%dma_wait3A_79, %dma_wait3A_80] : memref<10000x128xf32, #tpu.memory_space<vmem_shared>> -> memref<16x128xf32, #tpu.memory_space<vmem_shared>>
        %dma_wait3A_82 = arith.constant 9984 : i32
        %dma_wait3A_83 = arith.constant 0 : i32
        %dma_wait3A_84 = tpu.memref_slice %arg11[%dma_wait3A_82, %dma_wait3A_83] : memref<10000x128xf32, #tpu.memory_space<vmem_shared>> -> memref<16x128xf32, #tpu.memory_space<vmem_shared>>
        %dma_wait3A_85 = arith.constant 0 : i32
        %dma_wait3A_86 = arith.constant 0 : i32
        %dma_wait3A_87 = tpu.memref_slice %arg6[%dma_wait3A_85, %dma_wait3A_86] : memref<16x128xf32, #tpu.memory_space<vmem>> -> memref<16x128xf32, #tpu.memory_space<vmem>>
        tpu.wait_dma2 semaphore(%run_scoped3A : memref<!tpu.dma_semaphore, #tpu.memory_space<semaphore_mem>>) src(%dma_wait3A_87 : memref<16x128xf32, #tpu.memory_space<vmem>>) dst(%dma_wait3A_84 : memref<16x128xf32, #tpu.memory_space<vmem_shared>>)
        tpu.yield
      }) : () -> ()
    } else {
    }
    %scan3A_14 = arith.constant 0 : i32
    %scan3A_15 = arith.constant 0 : i32
    %scan3A_16 = arith.constant 39 : i32
    %scan3A_17 = arith.addi %scan3A_15, %scan3A_16 : i32
    %scan3A_18 = arith.constant 1 : i32
    scf.for %scan3A_64 = %scan3A_15 to %scan3A_17 step %scan3A_18  : i32 {
      %mul3A_65 = arith.constant 624 : i32
      %mul3A_66 = arith.muli %arg1, %mul3A_65 : i32
      %mul3A_67 = arith.constant 16 : i32
      %mul3A_68 = arith.muli %scan3A_64, %mul3A_67 : i32
      %add3A_69 = arith.addi %mul3A_66, %mul3A_68 : i32
      %dma_wait3A_70 = arith.constant 0 : i32
      %dma_wait3A_71 = tpu.memref_slice %arg11[%add3A_69, %dma_wait3A_70] : memref<10000x128xf32, #tpu.memory_space<vmem_shared>> -> memref<16x128xf32, #tpu.memory_space<vmem_shared>>
      %dma_wait3A_72 = arith.constant 0 : i32
      %dma_wait3A_73 = tpu.memref_slice %arg11[%add3A_69, %dma_wait3A_72] : memref<10000x128xf32, #tpu.memory_space<vmem_shared>> -> memref<16x128xf32, #tpu.memory_space<vmem_shared>>
      tpu.wait_dma2 semaphore(%arg12 : memref<!tpu.dma_semaphore, #tpu.memory_space<semaphore_mem>>) src(%arg6 : memref<16x128xf32, #tpu.memory_space<vmem>>) dst(%dma_wait3A_73 : memref<16x128xf32, #tpu.memory_space<vmem_shared>>)
    }
    %scan3A_19 = arith.constant 39 : i32
    %barrier3A = arith.constant 0 : index
    tpu.barrier barrier_id(%barrier3A)
    %dma_start3A = arith.constant 0 : i32
    %dma_start3A_20 = tpu.memref_slice %arg7[%dma_start3A] : memref<10000xi32, #tpu.memory_space<vmem>> -> memref<80xi32, #tpu.memory_space<vmem>>
    %dma_start3A_21 = arith.constant 0 : i32
    %dma_start3A_22 = arith.constant 0 : i32
    %dma_start3A_23 = tpu.memref_slice %arg2[%dma_start3A_21, %dma_start3A_22] : memref<10000x128xf32, #tpu.memory_space<hbm>> -> memref<10000x128xf32, #tpu.memory_space<hbm>>
    tpu.enqueue_indirect_dma source(%dma_start3A_23 : memref<10000x128xf32, #tpu.memory_space<hbm>>) target(%arg9 : memref<80x128xf32, #tpu.memory_space<vmem>>) offsets(%dma_start3A_20 : memref<80xi32, #tpu.memory_space<vmem>>) semaphore(%arg12 : memref<!tpu.dma_semaphore, #tpu.memory_space<semaphore_mem>>)
    %scan3A_24 = arith.constant 0 : i32
    %scan3A_25 = arith.constant 62 : i32
    %scan3A_26 = arith.addi %scan3A_24, %scan3A_25 : i32
    %scan3A_27 = arith.constant 1 : i32
    scf.for %scan3A_64 = %scan3A_24 to %scan3A_26 step %scan3A_27  : i32 {
      %mul3A_65 = arith.constant 2 : i32
      %mul3A_66 = arith.muli %scan3A_64, %mul3A_65 : i32
      %add3A_67 = arith.constant 0 : i32
      %add3A_68 = arith.addi %add3A_67, %mul3A_66 : i32
      %gt3A = arith.constant 0 : i32
      %gt3A_69 = arith.cmpi sgt, %add3A_68, %gt3A : i32
      %convert_element_type3A_70 = arith.extui %gt3A_69 : i1 to i32
      %cond3A_71 = arith.constant 0 : i32
      %cond3A_72 = arith.cmpi ne, %convert_element_type3A_70, %cond3A_71 : i32
      scf.if %cond3A_72 {
        %sub3A = arith.constant 1 : i32
        %sub3A_123 = arith.subi %add3A_68, %sub3A : i32
        %dma_wait3A_124 = arith.constant 0 : i32
        %dma_wait3A_125 = tpu.memref_slice %arg8[%sub3A_123, %dma_wait3A_124] : memref<125x80xi32, #tpu.memory_space<vmem>> -> memref<1x80xi32, #tpu.memory_space<vmem>>
        %dma_wait3A_126 = tpu.memref_squeeze %dma_wait3A_125 : memref<1x80xi32, #tpu.memory_space<vmem>> -> memref<80xi32, #tpu.memory_space<vmem>>
        %dma_wait3A_127 = arith.constant 0 : i32
        %dma_wait3A_128 = arith.constant 0 : i32
        %dma_wait3A_129 = tpu.memref_slice %arg11[%dma_wait3A_127, %dma_wait3A_128] : memref<10000x128xf32, #tpu.memory_space<vmem_shared>> -> memref<10000x128xf32, #tpu.memory_space<vmem_shared>>
        tpu.wait_indirect_dma semaphore(%arg15 : memref<!tpu.dma_semaphore, #tpu.memory_space<semaphore_mem>>) src(%arg10 : memref<80x128xf32, #tpu.memory_space<vmem>>) dst(%dma_wait3A_129 : memref<10000x128xf32, #tpu.memory_space<vmem_shared>>)
      } else {
      }
      %add3A_73 = arith.constant 1 : i32
      %add3A_74 = arith.addi %add3A_68, %add3A_73 : i32
      %mul3A_75 = arith.constant 80 : i32
      %mul3A_76 = arith.muli %add3A_74, %mul3A_75 : i32
      %dma_start3A_77 = tpu.memref_slice %arg7[%mul3A_76] : memref<10000xi32, #tpu.memory_space<vmem>> -> memref<80xi32, #tpu.memory_space<vmem>>
      %dma_start3A_78 = arith.constant 0 : i32
      %dma_start3A_79 = arith.constant 0 : i32
      %dma_start3A_80 = tpu.memref_slice %arg2[%dma_start3A_78, %dma_start3A_79] : memref<10000x128xf32, #tpu.memory_space<hbm>> -> memref<10000x128xf32, #tpu.memory_space<hbm>>
      tpu.enqueue_indirect_dma source(%dma_start3A_80 : memref<10000x128xf32, #tpu.memory_space<hbm>>) target(%arg10 : memref<80x128xf32, #tpu.memory_space<vmem>>) offsets(%dma_start3A_77 : memref<80xi32, #tpu.memory_space<vmem>>) semaphore(%arg13 : memref<!tpu.dma_semaphore, #tpu.memory_space<semaphore_mem>>)
      %mul3A_81 = arith.constant 80 : i32
      %mul3A_82 = arith.muli %add3A_68, %mul3A_81 : i32
      %dma_wait3A_83 = tpu.memref_slice %arg7[%mul3A_82] : memref<10000xi32, #tpu.memory_space<vmem>> -> memref<80xi32, #tpu.memory_space<vmem>>
      %dma_wait3A_84 = arith.constant 0 : i32
      %dma_wait3A_85 = arith.constant 0 : i32
      %dma_wait3A_86 = tpu.memref_slice %arg2[%dma_wait3A_84, %dma_wait3A_85] : memref<10000x128xf32, #tpu.memory_space<hbm>> -> memref<10000x128xf32, #tpu.memory_space<hbm>>
      tpu.wait_indirect_dma semaphore(%arg12 : memref<!tpu.dma_semaphore, #tpu.memory_space<semaphore_mem>>) src(%dma_wait3A_86 : memref<10000x128xf32, #tpu.memory_space<hbm>>) dst(%arg9 : memref<80x128xf32, #tpu.memory_space<vmem>>)
      %dma_start3A_87 = arith.constant 0 : i32
      %dma_start3A_88 = tpu.memref_slice %arg8[%add3A_68, %dma_start3A_87] : memref<125x80xi32, #tpu.memory_space<vmem>> -> memref<1x80xi32, #tpu.memory_space<vmem>>
      %dma_start3A_89 = tpu.memref_squeeze %dma_start3A_88 : memref<1x80xi32, #tpu.memory_space<vmem>> -> memref<80xi32, #tpu.memory_space<vmem>>
      %dma_start3A_90 = arith.constant 0 : i32
      %dma_start3A_91 = arith.constant 0 : i32
      %dma_start3A_92 = tpu.memref_slice %arg11[%dma_start3A_90, %dma_start3A_91] : memref<10000x128xf32, #tpu.memory_space<vmem_shared>> -> memref<10000x128xf32, #tpu.memory_space<vmem_shared>>
      tpu.enqueue_indirect_dma source(%arg9 : memref<80x128xf32, #tpu.memory_space<vmem>>) target(%dma_start3A_92 : memref<10000x128xf32, #tpu.memory_space<vmem_shared>>) offsets(%dma_start3A_89 : memref<80xi32, #tpu.memory_space<vmem>>) semaphore(%arg14 : memref<!tpu.dma_semaphore, #tpu.memory_space<semaphore_mem>>) {add = true}
      %dma_wait3A_93 = arith.constant 0 : i32
      %dma_wait3A_94 = tpu.memref_slice %arg8[%add3A_68, %dma_wait3A_93] : memref<125x80xi32, #tpu.memory_space<vmem>> -> memref<1x80xi32, #tpu.memory_space<vmem>>
      %dma_wait3A_95 = tpu.memref_squeeze %dma_wait3A_94 : memref<1x80xi32, #tpu.memory_space<vmem>> -> memref<80xi32, #tpu.memory_space<vmem>>
      %dma_wait3A_96 = arith.constant 0 : i32
      %dma_wait3A_97 = arith.constant 0 : i32
      %dma_wait3A_98 = tpu.memref_slice %arg11[%dma_wait3A_96, %dma_wait3A_97] : memref<10000x128xf32, #tpu.memory_space<vmem_shared>> -> memref<10000x128xf32, #tpu.memory_space<vmem_shared>>
      tpu.wait_indirect_dma semaphore(%arg14 : memref<!tpu.dma_semaphore, #tpu.memory_space<semaphore_mem>>) src(%arg9 : memref<80x128xf32, #tpu.memory_space<vmem>>) dst(%dma_wait3A_98 : memref<10000x128xf32, #tpu.memory_space<vmem_shared>>)
      %add3A_99 = arith.constant 2 : i32
      %add3A_100 = arith.addi %add3A_68, %add3A_99 : i32
      %mul3A_101 = arith.constant 80 : i32
      %mul3A_102 = arith.muli %add3A_100, %mul3A_101 : i32
      %dma_start3A_103 = tpu.memref_slice %arg7[%mul3A_102] : memref<10000xi32, #tpu.memory_space<vmem>> -> memref<80xi32, #tpu.memory_space<vmem>>
      %dma_start3A_104 = arith.constant 0 : i32
      %dma_start3A_105 = arith.constant 0 : i32
      %dma_start3A_106 = tpu.memref_slice %arg2[%dma_start3A_104, %dma_start3A_105] : memref<10000x128xf32, #tpu.memory_space<hbm>> -> memref<10000x128xf32, #tpu.memory_space<hbm>>
      tpu.enqueue_indirect_dma source(%dma_start3A_106 : memref<10000x128xf32, #tpu.memory_space<hbm>>) target(%arg9 : memref<80x128xf32, #tpu.memory_space<vmem>>) offsets(%dma_start3A_103 : memref<80xi32, #tpu.memory_space<vmem>>) semaphore(%arg12 : memref<!tpu.dma_semaphore, #tpu.memory_space<semaphore_mem>>)
      %add3A_107 = arith.constant 1 : i32
      %add3A_108 = arith.addi %add3A_68, %add3A_107 : i32
      %mul3A_109 = arith.constant 80 : i32
      %mul3A_110 = arith.muli %add3A_108, %mul3A_109 : i32
      %dma_wait3A_111 = tpu.memref_slice %arg7[%mul3A_110] : memref<10000xi32, #tpu.memory_space<vmem>> -> memref<80xi32, #tpu.memory_space<vmem>>
      %dma_wait3A_112 = arith.constant 0 : i32
      %dma_wait3A_113 = arith.constant 0 : i32
      %dma_wait3A_114 = tpu.memref_slice %arg2[%dma_wait3A_112, %dma_wait3A_113] : memref<10000x128xf32, #tpu.memory_space<hbm>> -> memref<10000x128xf32, #tpu.memory_space<hbm>>
      tpu.wait_indirect_dma semaphore(%arg13 : memref<!tpu.dma_semaphore, #tpu.memory_space<semaphore_mem>>) src(%dma_wait3A_114 : memref<10000x128xf32, #tpu.memory_space<hbm>>) dst(%arg10 : memref<80x128xf32, #tpu.memory_space<vmem>>)
      %add3A_115 = arith.constant 1 : i32
      %add3A_116 = arith.addi %add3A_68, %add3A_115 : i32
      %dma_start3A_117 = arith.constant 0 : i32
      %dma_start3A_118 = tpu.memref_slice %arg8[%add3A_116, %dma_start3A_117] : memref<125x80xi32, #tpu.memory_space<vmem>> -> memref<1x80xi32, #tpu.memory_space<vmem>>
      %dma_start3A_119 = tpu.memref_squeeze %dma_start3A_118 : memref<1x80xi32, #tpu.memory_space<vmem>> -> memref<80xi32, #tpu.memory_space<vmem>>
      %dma_start3A_120 = arith.constant 0 : i32
      %dma_start3A_121 = arith.constant 0 : i32
      %dma_start3A_122 = tpu.memref_slice %arg11[%dma_start3A_120, %dma_start3A_121] : memref<10000x128xf32, #tpu.memory_space<vmem_shared>> -> memref<10000x128xf32, #tpu.memory_space<vmem_shared>>
      tpu.enqueue_indirect_dma source(%arg10 : memref<80x128xf32, #tpu.memory_space<vmem>>) target(%dma_start3A_122 : memref<10000x128xf32, #tpu.memory_space<vmem_shared>>) offsets(%dma_start3A_119 : memref<80xi32, #tpu.memory_space<vmem>>) semaphore(%arg15 : memref<!tpu.dma_semaphore, #tpu.memory_space<semaphore_mem>>) {add = true}
    }
    %scan3A_28 = arith.constant 62 : i32
    %dma_wait3A = arith.constant 9920 : i32
    %dma_wait3A_29 = tpu.memref_slice %arg7[%dma_wait3A] : memref<10000xi32, #tpu.memory_space<vmem>> -> memref<80xi32, #tpu.memory_space<vmem>>
    %dma_wait3A_30 = arith.constant 0 : i32
    %dma_wait3A_31 = arith.constant 0 : i32
    %dma_wait3A_32 = tpu.memref_slice %arg2[%dma_wait3A_30, %dma_wait3A_31] : memref<10000x128xf32, #tpu.memory_space<hbm>> -> memref<10000x128xf32, #tpu.memory_space<hbm>>
    tpu.wait_indirect_dma semaphore(%arg12 : memref<!tpu.dma_semaphore, #tpu.memory_space<semaphore_mem>>) src(%dma_wait3A_32 : memref<10000x128xf32, #tpu.memory_space<hbm>>) dst(%arg9 : memref<80x128xf32, #tpu.memory_space<vmem>>)
    %dma_start3A_33 = arith.constant 124 : i32
    %dma_start3A_34 = arith.constant 0 : i32
    %dma_start3A_35 = tpu.memref_slice %arg8[%dma_start3A_33, %dma_start3A_34] : memref<125x80xi32, #tpu.memory_space<vmem>> -> memref<1x80xi32, #tpu.memory_space<vmem>>
    %dma_start3A_36 = tpu.memref_squeeze %dma_start3A_35 : memref<1x80xi32, #tpu.memory_space<vmem>> -> memref<80xi32, #tpu.memory_space<vmem>>
    %dma_start3A_37 = arith.constant 0 : i32
    %dma_start3A_38 = arith.constant 0 : i32
    %dma_start3A_39 = tpu.memref_slice %arg11[%dma_start3A_37, %dma_start3A_38] : memref<10000x128xf32, #tpu.memory_space<vmem_shared>> -> memref<10000x128xf32, #tpu.memory_space<vmem_shared>>
    tpu.enqueue_indirect_dma source(%arg9 : memref<80x128xf32, #tpu.memory_space<vmem>>) target(%dma_start3A_39 : memref<10000x128xf32, #tpu.memory_space<vmem_shared>>) offsets(%dma_start3A_36 : memref<80xi32, #tpu.memory_space<vmem>>) semaphore(%arg14 : memref<!tpu.dma_semaphore, #tpu.memory_space<semaphore_mem>>) {add = true}
    %dma_wait3A_40 = arith.constant 123 : i32
    %dma_wait3A_41 = arith.constant 0 : i32
    %dma_wait3A_42 = tpu.memref_slice %arg8[%dma_wait3A_40, %dma_wait3A_41] : memref<125x80xi32, #tpu.memory_space<vmem>> -> memref<1x80xi32, #tpu.memory_space<vmem>>
    %dma_wait3A_43 = tpu.memref_squeeze %dma_wait3A_42 : memref<1x80xi32, #tpu.memory_space<vmem>> -> memref<80xi32, #tpu.memory_space<vmem>>
    %dma_wait3A_44 = arith.constant 0 : i32
    %dma_wait3A_45 = arith.constant 0 : i32
    %dma_wait3A_46 = tpu.memref_slice %arg11[%dma_wait3A_44, %dma_wait3A_45] : memref<10000x128xf32, #tpu.memory_space<vmem_shared>> -> memref<10000x128xf32, #tpu.memory_space<vmem_shared>>
    tpu.wait_indirect_dma semaphore(%arg15 : memref<!tpu.dma_semaphore, #tpu.memory_space<semaphore_mem>>) src(%arg10 : memref<80x128xf32, #tpu.memory_space<vmem>>) dst(%dma_wait3A_46 : memref<10000x128xf32, #tpu.memory_space<vmem_shared>>)
    %dma_wait3A_47 = arith.constant 124 : i32
    %dma_wait3A_48 = arith.constant 0 : i32
    %dma_wait3A_49 = tpu.memref_slice %arg8[%dma_wait3A_47, %dma_wait3A_48] : memref<125x80xi32, #tpu.memory_space<vmem>> -> memref<1x80xi32, #tpu.memory_space<vmem>>
    %dma_wait3A_50 = tpu.memref_squeeze %dma_wait3A_49 : memref<1x80xi32, #tpu.memory_space<vmem>> -> memref<80xi32, #tpu.memory_space<vmem>>
    %dma_wait3A_51 = arith.constant 0 : i32
    %dma_wait3A_52 = arith.constant 0 : i32
    %dma_wait3A_53 = tpu.memref_slice %arg11[%dma_wait3A_51, %dma_wait3A_52] : memref<10000x128xf32, #tpu.memory_space<vmem_shared>> -> memref<10000x128xf32, #tpu.memory_space<vmem_shared>>
    tpu.wait_indirect_dma semaphore(%arg14 : memref<!tpu.dma_semaphore, #tpu.memory_space<semaphore_mem>>) src(%arg9 : memref<80x128xf32, #tpu.memory_space<vmem>>) dst(%dma_wait3A_53 : memref<10000x128xf32, #tpu.memory_space<vmem_shared>>)
    %barrier3A_54 = arith.constant 0 : index
    tpu.barrier barrier_id(%barrier3A_54)
    %mul3A_55 = arith.constant 624 : i32
    %mul3A_56 = arith.muli %arg1, %mul3A_55 : i32
    %mul3A_57 = arith.constant 624 : i32
    %mul3A_58 = arith.muli %arg1, %mul3A_57 : i32
    "tpu.region"() ({
      %run_scoped3A = tpu.sem_alloc : memref<!tpu.dma_semaphore, #tpu.memory_space<semaphore_mem>>
      %dma_start3A_64 = arith.constant 0 : i32
      %dma_start3A_65 = tpu.memref_slice %arg5[%arg0, %mul3A_58, %dma_start3A_64] : memref<2x10000x128xf32, #tpu.memory_space<hbm>> -> memref<1x624x128xf32, #tpu.memory_space<hbm>>
      %dma_start3A_66 = tpu.memref_squeeze %dma_start3A_65 : memref<1x624x128xf32, #tpu.memory_space<hbm>> -> memref<624x128xf32, #tpu.memory_space<hbm>>
      %dma_start3A_67 = arith.constant 0 : i32
      %dma_start3A_68 = tpu.memref_slice %arg11[%mul3A_56, %dma_start3A_67] : memref<10000x128xf32, #tpu.memory_space<vmem_shared>> -> memref<624x128xf32, #tpu.memory_space<vmem_shared>>
      tpu.enqueue_dma source(%dma_start3A_68 : memref<624x128xf32, #tpu.memory_space<vmem_shared>>) target(%dma_start3A_66 : memref<624x128xf32, #tpu.memory_space<hbm>>) target_semaphore(%run_scoped3A : memref<!tpu.dma_semaphore, #tpu.memory_space<semaphore_mem>>)
      %dma_wait3A_69 = arith.constant 0 : i32
      %dma_wait3A_70 = tpu.memref_slice %arg5[%arg0, %mul3A_58, %dma_wait3A_69] : memref<2x10000x128xf32, #tpu.memory_space<hbm>> -> memref<1x624x128xf32, #tpu.memory_space<hbm>>
      %dma_wait3A_71 = tpu.memref_squeeze %dma_wait3A_70 : memref<1x624x128xf32, #tpu.memory_space<hbm>> -> memref<624x128xf32, #tpu.memory_space<hbm>>
      %dma_wait3A_72 = arith.constant 0 : i32
      %dma_wait3A_73 = tpu.memref_slice %arg11[%mul3A_56, %dma_wait3A_72] : memref<10000x128xf32, #tpu.memory_space<vmem_shared>> -> memref<624x128xf32, #tpu.memory_space<vmem_shared>>
      tpu.wait_dma2 semaphore(%run_scoped3A : memref<!tpu.dma_semaphore, #tpu.memory_space<semaphore_mem>>) src(%dma_wait3A_73 : memref<624x128xf32, #tpu.memory_space<vmem_shared>>) dst(%dma_wait3A_71 : memref<624x128xf32, #tpu.memory_space<hbm>>)
      tpu.yield
    }) : () -> ()
    %eq3A_59 = arith.constant 15 : i32
    %eq3A_60 = arith.cmpi eq, %arg1, %eq3A_59 : i32
    %convert_element_type3A_61 = arith.extui %eq3A_60 : i1 to i32
    %cond3A_62 = arith.constant 0 : i32
    %cond3A_63 = arith.cmpi ne, %convert_element_type3A_61, %cond3A_62 : i32
    scf.if %cond3A_63 {
      "tpu.region"() ({
        %run_scoped3A = tpu.sem_alloc : memref<!tpu.dma_semaphore, #tpu.memory_space<semaphore_mem>>
        %dma_start3A_64 = arith.constant 9984 : i32
        %dma_start3A_65 = arith.constant 0 : i32
        %dma_start3A_66 = tpu.memref_slice %arg5[%arg0, %dma_start3A_64, %dma_start3A_65] : memref<2x10000x128xf32, #tpu.memory_space<hbm>> -> memref<1x16x128xf32, #tpu.memory_space<hbm>>
        %dma_start3A_67 = tpu.memref_squeeze %dma_start3A_66 : memref<1x16x128xf32, #tpu.memory_space<hbm>> -> memref<16x128xf32, #tpu.memory_space<hbm>>
        %dma_start3A_68 = arith.constant 9984 : i32
        %dma_start3A_69 = arith.constant 0 : i32
        %dma_start3A_70 = tpu.memref_slice %arg11[%dma_start3A_68, %dma_start3A_69] : memref<10000x128xf32, #tpu.memory_space<vmem_shared>> -> memref<16x128xf32, #tpu.memory_space<vmem_shared>>
        tpu.enqueue_dma source(%dma_start3A_70 : memref<16x128xf32, #tpu.memory_space<vmem_shared>>) target(%dma_start3A_67 : memref<16x128xf32, #tpu.memory_space<hbm>>) target_semaphore(%run_scoped3A : memref<!tpu.dma_semaphore, #tpu.memory_space<semaphore_mem>>)
        %dma_wait3A_71 = arith.constant 9984 : i32
        %dma_wait3A_72 = arith.constant 0 : i32
        %dma_wait3A_73 = tpu.memref_slice %arg5[%arg0, %dma_wait3A_71, %dma_wait3A_72] : memref<2x10000x128xf32, #tpu.memory_space<hbm>> -> memref<1x16x128xf32, #tpu.memory_space<hbm>>
        %dma_wait3A_74 = tpu.memref_squeeze %dma_wait3A_73 : memref<1x16x128xf32, #tpu.memory_space<hbm>> -> memref<16x128xf32, #tpu.memory_space<hbm>>
        %dma_wait3A_75 = arith.constant 9984 : i32
        %dma_wait3A_76 = arith.constant 0 : i32
        %dma_wait3A_77 = tpu.memref_slice %arg11[%dma_wait3A_75, %dma_wait3A_76] : memref<10000x128xf32, #tpu.memory_space<vmem_shared>> -> memref<16x128xf32, #tpu.memory_space<vmem_shared>>
        tpu.wait_dma2 semaphore(%run_scoped3A : memref<!tpu.dma_semaphore, #tpu.memory_space<semaphore_mem>>) src(%dma_wait3A_77 : memref<16x128xf32, #tpu.memory_space<vmem_shared>>) dst(%dma_wait3A_74 : memref<16x128xf32, #tpu.memory_space<hbm>>)
        tpu.yield
      }) : () -> ()
    } else {
    }
    return
  }
}

#map = affine_map<(d0, d1) -> (0, 0, 0)>
#map1 = affine_map<(d0, d1) -> (0, 0)>
module attributes {stable_mosaic.version = 14 : i64} {
  func.func @deg_kernel(%arg0: i32, %arg1: i32, %arg2: memref<32x125x80xi32, #tpu.memory_space<hbm>>, %arg3: memref<2x10000xf32, #tpu.memory_space<hbm>>, %arg4: memref<10000xf32, #tpu.memory_space<vmem>>, %arg5: memref<125x80xi32, #tpu.memory_space<vmem>>, %arg6: memref<80xf32, #tpu.memory_space<vmem>>, %arg7: memref<10000xf32, #tpu.memory_space<vmem_shared>>) attributes {dimension_semantics = [#tpu.dimension_semantics<core_parallel>, #tpu.dimension_semantics<subcore_parallel>], iteration_bounds = array<i64: 2, 16>, scalar_prefetch = 0 : i64, scratch_operands = 4 : i64, tpu.core_type = #tpu.core_type<sc_vector_subcore>, window_params = [{transform_indices = #map}, {transform_indices = #map1}]} {
    %mul3A = arith.constant 16 : i32
    %mul3A_0 = arith.muli %arg0, %mul3A : i32
    %add3A = arith.addi %mul3A_0, %arg1 : i32
    "tpu.region"() ({
      %run_scoped3A = tpu.sem_alloc : memref<!tpu.dma_semaphore, #tpu.memory_space<semaphore_mem>>
      %dma_start3A = arith.constant 0 : i32
      %dma_start3A_20 = arith.constant 0 : i32
      %dma_start3A_21 = tpu.memref_slice %arg2[%add3A, %dma_start3A, %dma_start3A_20] : memref<32x125x80xi32, #tpu.memory_space<hbm>> -> memref<1x125x80xi32, #tpu.memory_space<hbm>>
      %dma_start3A_22 = tpu.memref_squeeze %dma_start3A_21 : memref<1x125x80xi32, #tpu.memory_space<hbm>> -> memref<125x80xi32, #tpu.memory_space<hbm>>
      %dma_start3A_23 = arith.constant 0 : i32
      %dma_start3A_24 = arith.constant 0 : i32
      %dma_start3A_25 = tpu.memref_slice %arg2[%add3A, %dma_start3A_23, %dma_start3A_24] : memref<32x125x80xi32, #tpu.memory_space<hbm>> -> memref<1x125x80xi32, #tpu.memory_space<hbm>>
      %dma_start3A_26 = tpu.memref_squeeze %dma_start3A_25 : memref<1x125x80xi32, #tpu.memory_space<hbm>> -> memref<125x80xi32, #tpu.memory_space<hbm>>
      tpu.enqueue_dma source(%dma_start3A_26 : memref<125x80xi32, #tpu.memory_space<hbm>>) target(%arg5 : memref<125x80xi32, #tpu.memory_space<vmem>>) target_semaphore(%run_scoped3A : memref<!tpu.dma_semaphore, #tpu.memory_space<semaphore_mem>>)
      %dma_wait3A = arith.constant 0 : i32
      %dma_wait3A_27 = arith.constant 0 : i32
      %dma_wait3A_28 = tpu.memref_slice %arg2[%add3A, %dma_wait3A, %dma_wait3A_27] : memref<32x125x80xi32, #tpu.memory_space<hbm>> -> memref<1x125x80xi32, #tpu.memory_space<hbm>>
      %dma_wait3A_29 = tpu.memref_squeeze %dma_wait3A_28 : memref<1x125x80xi32, #tpu.memory_space<hbm>> -> memref<125x80xi32, #tpu.memory_space<hbm>>
      %dma_wait3A_30 = arith.constant 0 : i32
      %dma_wait3A_31 = arith.constant 0 : i32
      %dma_wait3A_32 = tpu.memref_slice %arg2[%add3A, %dma_wait3A_30, %dma_wait3A_31] : memref<32x125x80xi32, #tpu.memory_space<hbm>> -> memref<1x125x80xi32, #tpu.memory_space<hbm>>
      %dma_wait3A_33 = tpu.memref_squeeze %dma_wait3A_32 : memref<1x125x80xi32, #tpu.memory_space<hbm>> -> memref<125x80xi32, #tpu.memory_space<hbm>>
      tpu.wait_dma2 semaphore(%run_scoped3A : memref<!tpu.dma_semaphore, #tpu.memory_space<semaphore_mem>>) src(%dma_wait3A_33 : memref<125x80xi32, #tpu.memory_space<hbm>>) dst(%arg5 : memref<125x80xi32, #tpu.memory_space<vmem>>)
      tpu.yield
    }) : () -> ()
    %scan3A = arith.constant 0 : i32
    %scan3A_1 = arith.constant 0 : i32
    %scan3A_2 = arith.constant 5 : i32
    %scan3A_3 = arith.addi %scan3A_1, %scan3A_2 : i32
    %scan3A_4 = arith.constant 1 : i32
    scf.for %scan3A_20 = %scan3A_1 to %scan3A_3 step %scan3A_4  : i32 {
      %broadcast_in_dim3A = arith.constant 1.000000e+00 : f32
      %broadcast_in_dim3A_21 = vector.broadcast %broadcast_in_dim3A : f32 to vector<16xf32>
      %mul3A_22 = arith.constant 16 : i32
      %mul3A_23 = arith.muli %scan3A_20, %mul3A_22 : i32
      %swap3A = arith.index_cast %mul3A_23 : i32 to index
      %swap3A_24 = tpu.vector_load %arg6[%swap3A] {strides = array<i32>} : memref<80xf32, #tpu.memory_space<vmem>>, vector<16xf32>,
      %swap3A_25 = vector.shape_cast %swap3A_24 : vector<16xf32> to vector<16xf32>
      %swap3A_26 = vector.shape_cast %broadcast_in_dim3A_21 : vector<16xf32> to vector<16xf32>
      tpu.vector_store %arg6[%swap3A], %swap3A_26 {strides = array<i32>} : memref<80xf32, #tpu.memory_space<vmem>>, vector<16xf32>,
    }
    %scan3A_5 = arith.constant 5 : i32
    %eq3A = arith.constant 0 : i32
    %eq3A_6 = arith.cmpi eq, %arg1, %eq3A : i32
    %convert_element_type3A = arith.extui %eq3A_6 : i1 to i32
    %cond3A = arith.constant 0 : i32
    %cond3A_7 = arith.cmpi ne, %convert_element_type3A, %cond3A : i32
    scf.if %cond3A_7 {
      %scan3A_20 = arith.constant 0 : i32
      %scan3A_21 = arith.constant 0 : i32
      %scan3A_22 = arith.constant 625 : i32
      %scan3A_23 = arith.addi %scan3A_21, %scan3A_22 : i32
      %scan3A_24 = arith.constant 1 : i32
      scf.for %scan3A_26 = %scan3A_21 to %scan3A_23 step %scan3A_24  : i32 {
        %broadcast_in_dim3A = arith.constant 0.000000e+00 : f32
        %broadcast_in_dim3A_27 = vector.broadcast %broadcast_in_dim3A : f32 to vector<16xf32>
        %mul3A_28 = arith.constant 16 : i32
        %mul3A_29 = arith.muli %scan3A_26, %mul3A_28 : i32
        %swap3A = arith.index_cast %mul3A_29 : i32 to index
        %swap3A_30 = tpu.vector_load %arg4[%swap3A] {strides = array<i32>} : memref<10000xf32, #tpu.memory_space<vmem>>, vector<16xf32>,
        %swap3A_31 = vector.shape_cast %swap3A_30 : vector<16xf32> to vector<16xf32>
        %swap3A_32 = vector.shape_cast %broadcast_in_dim3A_27 : vector<16xf32> to vector<16xf32>
        tpu.vector_store %arg4[%swap3A], %swap3A_32 {strides = array<i32>} : memref<10000xf32, #tpu.memory_space<vmem>>, vector<16xf32>,
      }
      %scan3A_25 = arith.constant 625 : i32
      "tpu.region"() ({
        %run_scoped3A = tpu.sem_alloc : memref<!tpu.dma_semaphore, #tpu.memory_space<semaphore_mem>>
        tpu.enqueue_dma source(%arg4 : memref<10000xf32, #tpu.memory_space<vmem>>) target(%arg7 : memref<10000xf32, #tpu.memory_space<vmem_shared>>) target_semaphore(%run_scoped3A : memref<!tpu.dma_semaphore, #tpu.memory_space<semaphore_mem>>)
        tpu.wait_dma2 semaphore(%run_scoped3A : memref<!tpu.dma_semaphore, #tpu.memory_space<semaphore_mem>>) src(%arg4 : memref<10000xf32, #tpu.memory_space<vmem>>) dst(%arg7 : memref<10000xf32, #tpu.memory_space<vmem_shared>>)
        tpu.yield
      }) : () -> ()
    } else {
    }
    %barrier3A = arith.constant 0 : index
    tpu.barrier barrier_id(%barrier3A)
    %scan3A_8 = arith.constant 0 : i32
    %scan3A_9 = arith.constant 0 : i32
    %scan3A_10 = arith.constant 125 : i32
    %scan3A_11 = arith.addi %scan3A_9, %scan3A_10 : i32
    %scan3A_12 = arith.constant 1 : i32
    scf.for %scan3A_20 = %scan3A_9 to %scan3A_11 step %scan3A_12  : i32 {
      "tpu.region"() ({
        %run_scoped3A = tpu.sem_alloc : memref<!tpu.dma_semaphore, #tpu.memory_space<semaphore_mem>>
        %dma_start3A = arith.constant 0 : i32
        %dma_start3A_21 = tpu.memref_slice %arg5[%scan3A_20, %dma_start3A] : memref<125x80xi32, #tpu.memory_space<vmem>> -> memref<1x80xi32, #tpu.memory_space<vmem>>
        %dma_start3A_22 = tpu.memref_squeeze %dma_start3A_21 : memref<1x80xi32, #tpu.memory_space<vmem>> -> memref<80xi32, #tpu.memory_space<vmem>>
        %dma_start3A_23 = arith.constant 0 : i32
        %dma_start3A_24 = tpu.memref_slice %arg7[%dma_start3A_23] : memref<10000xf32, #tpu.memory_space<vmem_shared>> -> memref<10000xf32, #tpu.memory_space<vmem_shared>>
        tpu.enqueue_indirect_dma source(%arg6 : memref<80xf32, #tpu.memory_space<vmem>>) target(%dma_start3A_24 : memref<10000xf32, #tpu.memory_space<vmem_shared>>) offsets(%dma_start3A_22 : memref<80xi32, #tpu.memory_space<vmem>>) semaphore(%run_scoped3A : memref<!tpu.dma_semaphore, #tpu.memory_space<semaphore_mem>>) {add = true}
        %dma_wait3A = arith.constant 0 : i32
        %dma_wait3A_25 = tpu.memref_slice %arg5[%scan3A_20, %dma_wait3A] : memref<125x80xi32, #tpu.memory_space<vmem>> -> memref<1x80xi32, #tpu.memory_space<vmem>>
        %dma_wait3A_26 = tpu.memref_squeeze %dma_wait3A_25 : memref<1x80xi32, #tpu.memory_space<vmem>> -> memref<80xi32, #tpu.memory_space<vmem>>
        %dma_wait3A_27 = arith.constant 0 : i32
        %dma_wait3A_28 = tpu.memref_slice %arg7[%dma_wait3A_27] : memref<10000xf32, #tpu.memory_space<vmem_shared>> -> memref<10000xf32, #tpu.memory_space<vmem_shared>>
        tpu.wait_indirect_dma semaphore(%run_scoped3A : memref<!tpu.dma_semaphore, #tpu.memory_space<semaphore_mem>>) src(%arg6 : memref<80xf32, #tpu.memory_space<vmem>>) dst(%dma_wait3A_28 : memref<10000xf32, #tpu.memory_space<vmem_shared>>)
        tpu.yield
      }) : () -> ()
    }
    %scan3A_13 = arith.constant 125 : i32
    %barrier3A_14 = arith.constant 0 : index
    tpu.barrier barrier_id(%barrier3A_14)
    %eq3A_15 = arith.constant 0 : i32
    %eq3A_16 = arith.cmpi eq, %arg1, %eq3A_15 : i32
    %convert_element_type3A_17 = arith.extui %eq3A_16 : i1 to i32
    %cond3A_18 = arith.constant 0 : i32
    %cond3A_19 = arith.cmpi ne, %convert_element_type3A_17, %cond3A_18 : i32
    scf.if %cond3A_19 {
      "tpu.region"() ({
        %run_scoped3A = tpu.sem_alloc : memref<!tpu.dma_semaphore, #tpu.memory_space<semaphore_mem>>
        %dma_start3A = arith.constant 0 : i32
        %dma_start3A_20 = tpu.memref_slice %arg3[%arg0, %dma_start3A] : memref<2x10000xf32, #tpu.memory_space<hbm>> -> memref<1x10000xf32, #tpu.memory_space<hbm>>
        %dma_start3A_21 = tpu.memref_squeeze %dma_start3A_20 : memref<1x10000xf32, #tpu.memory_space<hbm>> -> memref<10000xf32, #tpu.memory_space<hbm>>
        tpu.enqueue_dma source(%arg7 : memref<10000xf32, #tpu.memory_space<vmem_shared>>) target(%dma_start3A_21 : memref<10000xf32, #tpu.memory_space<hbm>>) target_semaphore(%run_scoped3A : memref<!tpu.dma_semaphore, #tpu.memory_space<semaphore_mem>>)
        %dma_wait3A = arith.constant 0 : i32
        %dma_wait3A_22 = tpu.memref_slice %arg3[%arg0, %dma_wait3A] : memref<2x10000xf32, #tpu.memory_space<hbm>> -> memref<1x10000xf32, #tpu.memory_space<hbm>>
        %dma_wait3A_23 = tpu.memref_squeeze %dma_wait3A_22 : memref<1x10000xf32, #tpu.memory_space<hbm>> -> memref<10000xf32, #tpu.memory_space<hbm>>
        tpu.wait_dma2 semaphore(%run_scoped3A : memref<!tpu.dma_semaphore, #tpu.memory_space<semaphore_mem>>) src(%arg7 : memref<10000xf32, #tpu.memory_space<vmem_shared>>) dst(%dma_wait3A_23 : memref<10000xf32, #tpu.memory_space<hbm>>)
        tpu.yield
      }) : () -> ()
    } else {
    }
    return
  }
}

#map = affine_map<(d0, d1) -> (0, 0)>
#map1 = affine_map<(d0, d1) -> (0, 0, 0)>
module attributes {stable_mosaic.version = 14 : i64} {
  func.func @agg_kernel(%arg0: i32, %arg1: i32, %arg2: memref<10000x128xf32, #tpu.memory_space<hbm>>, %arg3: memref<32x10000xi32, #tpu.memory_space<hbm>>, %arg4: memref<32x125x80xi32, #tpu.memory_space<hbm>>, %arg5: memref<2x10000x128xf32, #tpu.memory_space<hbm>>, %arg6: memref<16x128xf32, #tpu.memory_space<vmem>>, %arg7: memref<10000xi32, #tpu.memory_space<vmem>>, %arg8: memref<125x80xi32, #tpu.memory_space<vmem>>, %arg9: memref<80x128xf32, #tpu.memory_space<vmem>>, %arg10: memref<80x128xf32, #tpu.memory_space<vmem>>, %arg11: memref<10000x128xf32, #tpu.memory_space<vmem_shared>>, %arg12: memref<!tpu.dma_semaphore, #tpu.memory_space<semaphore_mem>>, %arg13: memref<!tpu.dma_semaphore, #tpu.memory_space<semaphore_mem>>, %arg14: memref<!tpu.dma_semaphore, #tpu.memory_space<semaphore_mem>>, %arg15: memref<!tpu.dma_semaphore, #tpu.memory_space<semaphore_mem>>) attributes {dimension_semantics = [#tpu.dimension_semantics<core_parallel>, #tpu.dimension_semantics<subcore_parallel>], iteration_bounds = array<i64: 2, 16>, scalar_prefetch = 0 : i64, scratch_operands = 10 : i64, tpu.core_type = #tpu.core_type<sc_vector_subcore>, window_params = [{transform_indices = #map}, {transform_indices = #map}, {transform_indices = #map1}, {transform_indices = #map1}]} {
    %mul3A = arith.constant 16 : i32
    %mul3A_0 = arith.muli %arg0, %mul3A : i32
    %add3A = arith.addi %mul3A_0, %arg1 : i32
    "tpu.region"() ({
      %run_scoped3A = tpu.sem_alloc : memref<!tpu.dma_semaphore, #tpu.memory_space<semaphore_mem>>
      %dma_start3A_64 = arith.constant 0 : i32
      %dma_start3A_65 = tpu.memref_slice %arg3[%add3A, %dma_start3A_64] : memref<32x10000xi32, #tpu.memory_space<hbm>> -> memref<1x10000xi32, #tpu.memory_space<hbm>>
      %dma_start3A_66 = tpu.memref_squeeze %dma_start3A_65 : memref<1x10000xi32, #tpu.memory_space<hbm>> -> memref<10000xi32, #tpu.memory_space<hbm>>
      %dma_start3A_67 = arith.constant 0 : i32
      %dma_start3A_68 = tpu.memref_slice %arg3[%add3A, %dma_start3A_67] : memref<32x10000xi32, #tpu.memory_space<hbm>> -> memref<1x10000xi32, #tpu.memory_space<hbm>>
      %dma_start3A_69 = tpu.memref_squeeze %dma_start3A_68 : memref<1x10000xi32, #tpu.memory_space<hbm>> -> memref<10000xi32, #tpu.memory_space<hbm>>
      tpu.enqueue_dma source(%dma_start3A_69 : memref<10000xi32, #tpu.memory_space<hbm>>) target(%arg7 : memref<10000xi32, #tpu.memory_space<vmem>>) target_semaphore(%run_scoped3A : memref<!tpu.dma_semaphore, #tpu.memory_space<semaphore_mem>>)
      %dma_wait3A_70 = arith.constant 0 : i32
      %dma_wait3A_71 = tpu.memref_slice %arg3[%add3A, %dma_wait3A_70] : memref<32x10000xi32, #tpu.memory_space<hbm>> -> memref<1x10000xi32, #tpu.memory_space<hbm>>
      %dma_wait3A_72 = tpu.memref_squeeze %dma_wait3A_71 : memref<1x10000xi32, #tpu.memory_space<hbm>> -> memref<10000xi32, #tpu.memory_space<hbm>>
      %dma_wait3A_73 = arith.constant 0 : i32
      %dma_wait3A_74 = tpu.memref_slice %arg3[%add3A, %dma_wait3A_73] : memref<32x10000xi32, #tpu.memory_space<hbm>> -> memref<1x10000xi32, #tpu.memory_space<hbm>>
      %dma_wait3A_75 = tpu.memref_squeeze %dma_wait3A_74 : memref<1x10000xi32, #tpu.memory_space<hbm>> -> memref<10000xi32, #tpu.memory_space<hbm>>
      tpu.wait_dma2 semaphore(%run_scoped3A : memref<!tpu.dma_semaphore, #tpu.memory_space<semaphore_mem>>) src(%dma_wait3A_75 : memref<10000xi32, #tpu.memory_space<hbm>>) dst(%arg7 : memref<10000xi32, #tpu.memory_space<vmem>>)
      tpu.yield
    }) : () -> ()
    "tpu.region"() ({
      %run_scoped3A = tpu.sem_alloc : memref<!tpu.dma_semaphore, #tpu.memory_space<semaphore_mem>>
      %dma_start3A_64 = arith.constant 0 : i32
      %dma_start3A_65 = arith.constant 0 : i32
      %dma_start3A_66 = tpu.memref_slice %arg4[%add3A, %dma_start3A_64, %dma_start3A_65] : memref<32x125x80xi32, #tpu.memory_space<hbm>> -> memref<1x125x80xi32, #tpu.memory_space<hbm>>
      %dma_start3A_67 = tpu.memref_squeeze %dma_start3A_66 : memref<1x125x80xi32, #tpu.memory_space<hbm>> -> memref<125x80xi32, #tpu.memory_space<hbm>>
      %dma_start3A_68 = arith.constant 0 : i32
      %dma_start3A_69 = arith.constant 0 : i32
      %dma_start3A_70 = tpu.memref_slice %arg4[%add3A, %dma_start3A_68, %dma_start3A_69] : memref<32x125x80xi32, #tpu.memory_space<hbm>> -> memref<1x125x80xi32, #tpu.memory_space<hbm>>
      %dma_start3A_71 = tpu.memref_squeeze %dma_start3A_70 : memref<1x125x80xi32, #tpu.memory_space<hbm>> -> memref<125x80xi32, #tpu.memory_space<hbm>>
      tpu.enqueue_dma source(%dma_start3A_71 : memref<125x80xi32, #tpu.memory_space<hbm>>) target(%arg8 : memref<125x80xi32, #tpu.memory_space<vmem>>) target_semaphore(%run_scoped3A : memref<!tpu.dma_semaphore, #tpu.memory_space<semaphore_mem>>)
      %dma_wait3A_72 = arith.constant 0 : i32
      %dma_wait3A_73 = arith.constant 0 : i32
      %dma_wait3A_74 = tpu.memref_slice %arg4[%add3A, %dma_wait3A_72, %dma_wait3A_73] : memref<32x125x80xi32, #tpu.memory_space<hbm>> -> memref<1x125x80xi32, #tpu.memory_space<hbm>>
      %dma_wait3A_75 = tpu.memref_squeeze %dma_wait3A_74 : memref<1x125x80xi32, #tpu.memory_space<hbm>> -> memref<125x80xi32, #tpu.memory_space<hbm>>
      %dma_wait3A_76 = arith.constant 0 : i32
      %dma_wait3A_77 = arith.constant 0 : i32
      %dma_wait3A_78 = tpu.memref_slice %arg4[%add3A, %dma_wait3A_76, %dma_wait3A_77] : memref<32x125x80xi32, #tpu.memory_space<hbm>> -> memref<1x125x80xi32, #tpu.memory_space<hbm>>
      %dma_wait3A_79 = tpu.memref_squeeze %dma_wait3A_78 : memref<1x125x80xi32, #tpu.memory_space<hbm>> -> memref<125x80xi32, #tpu.memory_space<hbm>>
      tpu.wait_dma2 semaphore(%run_scoped3A : memref<!tpu.dma_semaphore, #tpu.memory_space<semaphore_mem>>) src(%dma_wait3A_79 : memref<125x80xi32, #tpu.memory_space<hbm>>) dst(%arg8 : memref<125x80xi32, #tpu.memory_space<vmem>>)
      tpu.yield
    }) : () -> ()
    %scan3A = arith.constant 0 : i32
    %scan3A_1 = arith.constant 0 : i32
    %scan3A_2 = arith.constant 128 : i32
    %scan3A_3 = arith.addi %scan3A_1, %scan3A_2 : i32
    %scan3A_4 = arith.constant 1 : i32
    scf.for %scan3A_64 = %scan3A_1 to %scan3A_3 step %scan3A_4  : i32 {
      %jit3A = arith.constant 8 : i32
      %div3A = arith.divsi %scan3A_64, %jit3A : i32
      %sign3A = arith.constant 0 : i32
      %sign3A_65 = arith.cmpi sgt, %scan3A_64, %sign3A : i32
      %sign3A_66 = arith.extui %sign3A_65 : i1 to i32
      %sign3A_67 = arith.constant 0 : i32
      %sign3A_68 = arith.cmpi slt, %scan3A_64, %sign3A_67 : i32
      %sign3A_69 = arith.extui %sign3A_68 : i1 to i32
      %sign3A_70 = arith.subi %sign3A_66, %sign3A_69 : i32
      %sign3A_71 = arith.constant 0 : i32
      %sign3A_72 = arith.cmpi sgt, %jit3A, %sign3A_71 : i32
      %sign3A_73 = arith.extui %sign3A_72 : i1 to i32
      %sign3A_74 = arith.constant 0 : i32
      %sign3A_75 = arith.cmpi slt, %jit3A, %sign3A_74 : i32
      %sign3A_76 = arith.extui %sign3A_75 : i1 to i32
      %sign3A_77 = arith.subi %sign3A_73, %sign3A_76 : i32
      %ne3A = arith.cmpi ne, %sign3A_70, %sign3A_77 : i32
      %rem3A = arith.remsi %scan3A_64, %jit3A : i32
      %ne3A_78 = arith.constant 0 : i32
      %ne3A_79 = arith.cmpi ne, %rem3A, %ne3A_78 : i32
      %and3A = arith.andi %ne3A, %ne3A_79 : i1
      %sub3A = arith.constant 1 : i32
      %sub3A_80 = arith.subi %div3A, %sub3A : i32
      %select_n3A = arith.select %and3A, %sub3A_80, %div3A : i32
      %jit3A_81 = arith.constant 8 : i32
      %eq3A_82 = arith.constant 0 : i32
      %eq3A_83 = arith.cmpi eq, %jit3A_81, %eq3A_82 : i32
      %jit3A_84 = arith.constant 1 : i32
      %select_n3A_85 = arith.select %eq3A_83, %jit3A_84, %jit3A_81 : i32
      %rem3A_86 = arith.remsi %scan3A_64, %select_n3A_85 : i32
      %ne3A_87 = arith.constant 0 : i32
      %ne3A_88 = arith.cmpi ne, %rem3A_86, %ne3A_87 : i32
      %lt3A = arith.constant 0 : i32
      %lt3A_89 = arith.cmpi slt, %rem3A_86, %lt3A : i32
      %lt3A_90 = arith.constant 0 : i32
      %lt3A_91 = arith.cmpi slt, %select_n3A_85, %lt3A_90 : i32
      %ne3A_92 = arith.xori %lt3A_89, %lt3A_91 : i1
      %and3A_93 = arith.andi %ne3A_92, %ne3A_88 : i1
      %add3A_94 = arith.addi %rem3A_86, %select_n3A_85 : i32
      %select_n3A_95 = arith.select %and3A_93, %add3A_94, %rem3A_86 : i32
      %broadcast_in_dim3A = arith.constant 0.000000e+00 : f32
      %broadcast_in_dim3A_96 = vector.broadcast %broadcast_in_dim3A : f32 to vector<16xf32>
      %mul3A_97 = arith.constant 16 : i32
      %mul3A_98 = arith.muli %select_n3A_95, %mul3A_97 : i32
      %swap3A = arith.index_cast %select_n3A : i32 to index
      %swap3A_99 = arith.index_cast %mul3A_98 : i32 to index
      %swap3A_100 = tpu.vector_load %arg6[%swap3A, %swap3A_99] {strides = array<i32>} : memref<16x128xf32, #tpu.memory_space<vmem>>, vector<1x16xf32>,
      %swap3A_101 = vector.shape_cast %swap3A_100 : vector<1x16xf32> to vector<16xf32>
      %swap3A_102 = vector.shape_cast %broadcast_in_dim3A_96 : vector<16xf32> to vector<1x16xf32>
      tpu.vector_store %arg6[%swap3A, %swap3A_99], %swap3A_102 {strides = array<i32>} : memref<16x128xf32, #tpu.memory_space<vmem>>, vector<1x16xf32>,
    }
    %scan3A_5 = arith.constant 128 : i32
    %scan3A_6 = arith.constant 0 : i32
    %scan3A_7 = arith.constant 0 : i32
    %scan3A_8 = arith.constant 39 : i32
    %scan3A_9 = arith.addi %scan3A_7, %scan3A_8 : i32
    %scan3A_10 = arith.constant 1 : i32
    scf.for %scan3A_64 = %scan3A_7 to %scan3A_9 step %scan3A_10  : i32 {
      %mul3A_65 = arith.constant 624 : i32
      %mul3A_66 = arith.muli %arg1, %mul3A_65 : i32
      %mul3A_67 = arith.constant 16 : i32
      %mul3A_68 = arith.muli %scan3A_64, %mul3A_67 : i32
      %add3A_69 = arith.addi %mul3A_66, %mul3A_68 : i32
      %dma_start3A_70 = arith.constant 0 : i32
      %dma_start3A_71 = tpu.memref_slice %arg11[%add3A_69, %dma_start3A_70] : memref<10000x128xf32, #tpu.memory_space<vmem_shared>> -> memref<16x128xf32, #tpu.memory_space<vmem_shared>>
      %dma_start3A_72 = arith.constant 0 : i32
      %dma_start3A_73 = tpu.memref_slice %arg11[%add3A_69, %dma_start3A_72] : memref<10000x128xf32, #tpu.memory_space<vmem_shared>> -> memref<16x128xf32, #tpu.memory_space<vmem_shared>>
      tpu.enqueue_dma source(%arg6 : memref<16x128xf32, #tpu.memory_space<vmem>>) target(%dma_start3A_73 : memref<16x128xf32, #tpu.memory_space<vmem_shared>>) target_semaphore(%arg12 : memref<!tpu.dma_semaphore, #tpu.memory_space<semaphore_mem>>)
    }
    %scan3A_11 = arith.constant 39 : i32
    %eq3A = arith.constant 15 : i32
    %eq3A_12 = arith.cmpi eq, %arg1, %eq3A : i32
    %convert_element_type3A = arith.extui %eq3A_12 : i1 to i32
    %cond3A = arith.constant 0 : i32
    %cond3A_13 = arith.cmpi ne, %convert_element_type3A, %cond3A : i32
    scf.if %cond3A_13 {
      "tpu.region"() ({
        %run_scoped3A = tpu.sem_alloc : memref<!tpu.dma_semaphore, #tpu.memory_space<semaphore_mem>>
        %dma_start3A_64 = arith.constant 0 : i32
        %dma_start3A_65 = arith.constant 0 : i32
        %dma_start3A_66 = tpu.memref_slice %arg6[%dma_start3A_64, %dma_start3A_65] : memref<16x128xf32, #tpu.memory_space<vmem>> -> memref<16x128xf32, #tpu.memory_space<vmem>>
        %dma_start3A_67 = arith.constant 9984 : i32
        %dma_start3A_68 = arith.constant 0 : i32
        %dma_start3A_69 = tpu.memref_slice %arg11[%dma_start3A_67, %dma_start3A_68] : memref<10000x128xf32, #tpu.memory_space<vmem_shared>> -> memref<16x128xf32, #tpu.memory_space<vmem_shared>>
        %dma_start3A_70 = arith.constant 9984 : i32
        %dma_start3A_71 = arith.constant 0 : i32
        %dma_start3A_72 = tpu.memref_slice %arg11[%dma_start3A_70, %dma_start3A_71] : memref<10000x128xf32, #tpu.memory_space<vmem_shared>> -> memref<16x128xf32, #tpu.memory_space<vmem_shared>>
        %dma_start3A_73 = arith.constant 0 : i32
        %dma_start3A_74 = arith.constant 0 : i32
        %dma_start3A_75 = tpu.memref_slice %arg6[%dma_start3A_73, %dma_start3A_74] : memref<16x128xf32, #tpu.memory_space<vmem>> -> memref<16x128xf32, #tpu.memory_space<vmem>>
        tpu.enqueue_dma source(%dma_start3A_75 : memref<16x128xf32, #tpu.memory_space<vmem>>) target(%dma_start3A_72 : memref<16x128xf32, #tpu.memory_space<vmem_shared>>) target_semaphore(%run_scoped3A : memref<!tpu.dma_semaphore, #tpu.memory_space<semaphore_mem>>)
        %dma_wait3A_76 = arith.constant 0 : i32
        %dma_wait3A_77 = arith.constant 0 : i32
        %dma_wait3A_78 = tpu.memref_slice %arg6[%dma_wait3A_76, %dma_wait3A_77] : memref<16x128xf32, #tpu.memory_space<vmem>> -> memref<16x128xf32, #tpu.memory_space<vmem>>
        %dma_wait3A_79 = arith.constant 9984 : i32
        %dma_wait3A_80 = arith.constant 0 : i32
        %dma_wait3A_81 = tpu.memref_slice %arg11[%dma_wait3A_79, %dma_wait3A_80] : memref<10000x128xf32, #tpu.memory_space<vmem_shared>> -> memref<16x128xf32, #tpu.memory_space<vmem_shared>>
        %dma_wait3A_82 = arith.constant 9984 : i32
        %dma_wait3A_83 = arith.constant 0 : i32
        %dma_wait3A_84 = tpu.memref_slice %arg11[%dma_wait3A_82, %dma_wait3A_83] : memref<10000x128xf32, #tpu.memory_space<vmem_shared>> -> memref<16x128xf32, #tpu.memory_space<vmem_shared>>
        %dma_wait3A_85 = arith.constant 0 : i32
        %dma_wait3A_86 = arith.constant 0 : i32
        %dma_wait3A_87 = tpu.memref_slice %arg6[%dma_wait3A_85, %dma_wait3A_86] : memref<16x128xf32, #tpu.memory_space<vmem>> -> memref<16x128xf32, #tpu.memory_space<vmem>>
        tpu.wait_dma2 semaphore(%run_scoped3A : memref<!tpu.dma_semaphore, #tpu.memory_space<semaphore_mem>>) src(%dma_wait3A_87 : memref<16x128xf32, #tpu.memory_space<vmem>>) dst(%dma_wait3A_84 : memref<16x128xf32, #tpu.memory_space<vmem_shared>>)
        tpu.yield
      }) : () -> ()
    } else {
    }
    %scan3A_14 = arith.constant 0 : i32
    %scan3A_15 = arith.constant 0 : i32
    %scan3A_16 = arith.constant 39 : i32
    %scan3A_17 = arith.addi %scan3A_15, %scan3A_16 : i32
    %scan3A_18 = arith.constant 1 : i32
    scf.for %scan3A_64 = %scan3A_15 to %scan3A_17 step %scan3A_18  : i32 {
      %mul3A_65 = arith.constant 624 : i32
      %mul3A_66 = arith.muli %arg1, %mul3A_65 : i32
      %mul3A_67 = arith.constant 16 : i32
      %mul3A_68 = arith.muli %scan3A_64, %mul3A_67 : i32
      %add3A_69 = arith.addi %mul3A_66, %mul3A_68 : i32
      %dma_wait3A_70 = arith.constant 0 : i32
      %dma_wait3A_71 = tpu.memref_slice %arg11[%add3A_69, %dma_wait3A_70] : memref<10000x128xf32, #tpu.memory_space<vmem_shared>> -> memref<16x128xf32, #tpu.memory_space<vmem_shared>>
      %dma_wait3A_72 = arith.constant 0 : i32
      %dma_wait3A_73 = tpu.memref_slice %arg11[%add3A_69, %dma_wait3A_72] : memref<10000x128xf32, #tpu.memory_space<vmem_shared>> -> memref<16x128xf32, #tpu.memory_space<vmem_shared>>
      tpu.wait_dma2 semaphore(%arg12 : memref<!tpu.dma_semaphore, #tpu.memory_space<semaphore_mem>>) src(%arg6 : memref<16x128xf32, #tpu.memory_space<vmem>>) dst(%dma_wait3A_73 : memref<16x128xf32, #tpu.memory_space<vmem_shared>>)
    }
    %scan3A_19 = arith.constant 39 : i32
    %barrier3A = arith.constant 0 : index
    tpu.barrier barrier_id(%barrier3A)
    %dma_start3A = arith.constant 0 : i32
    %dma_start3A_20 = tpu.memref_slice %arg7[%dma_start3A] : memref<10000xi32, #tpu.memory_space<vmem>> -> memref<80xi32, #tpu.memory_space<vmem>>
    %dma_start3A_21 = arith.constant 0 : i32
    %dma_start3A_22 = arith.constant 0 : i32
    %dma_start3A_23 = tpu.memref_slice %arg2[%dma_start3A_21, %dma_start3A_22] : memref<10000x128xf32, #tpu.memory_space<hbm>> -> memref<10000x128xf32, #tpu.memory_space<hbm>>
    tpu.enqueue_indirect_dma source(%dma_start3A_23 : memref<10000x128xf32, #tpu.memory_space<hbm>>) target(%arg9 : memref<80x128xf32, #tpu.memory_space<vmem>>) offsets(%dma_start3A_20 : memref<80xi32, #tpu.memory_space<vmem>>) semaphore(%arg12 : memref<!tpu.dma_semaphore, #tpu.memory_space<semaphore_mem>>)
    %scan3A_24 = arith.constant 0 : i32
    %scan3A_25 = arith.constant 62 : i32
    %scan3A_26 = arith.addi %scan3A_24, %scan3A_25 : i32
    %scan3A_27 = arith.constant 1 : i32
    scf.for %scan3A_64 = %scan3A_24 to %scan3A_26 step %scan3A_27  : i32 {
      %mul3A_65 = arith.constant 2 : i32
      %mul3A_66 = arith.muli %scan3A_64, %mul3A_65 : i32
      %add3A_67 = arith.constant 0 : i32
      %add3A_68 = arith.addi %add3A_67, %mul3A_66 : i32
      %gt3A = arith.constant 0 : i32
      %gt3A_69 = arith.cmpi sgt, %add3A_68, %gt3A : i32
      %convert_element_type3A_70 = arith.extui %gt3A_69 : i1 to i32
      %cond3A_71 = arith.constant 0 : i32
      %cond3A_72 = arith.cmpi ne, %convert_element_type3A_70, %cond3A_71 : i32
      scf.if %cond3A_72 {
        %sub3A = arith.constant 1 : i32
        %sub3A_123 = arith.subi %add3A_68, %sub3A : i32
        %dma_wait3A_124 = arith.constant 0 : i32
        %dma_wait3A_125 = tpu.memref_slice %arg8[%sub3A_123, %dma_wait3A_124] : memref<125x80xi32, #tpu.memory_space<vmem>> -> memref<1x80xi32, #tpu.memory_space<vmem>>
        %dma_wait3A_126 = tpu.memref_squeeze %dma_wait3A_125 : memref<1x80xi32, #tpu.memory_space<vmem>> -> memref<80xi32, #tpu.memory_space<vmem>>
        %dma_wait3A_127 = arith.constant 0 : i32
        %dma_wait3A_128 = arith.constant 0 : i32
        %dma_wait3A_129 = tpu.memref_slice %arg11[%dma_wait3A_127, %dma_wait3A_128] : memref<10000x128xf32, #tpu.memory_space<vmem_shared>> -> memref<10000x128xf32, #tpu.memory_space<vmem_shared>>
        tpu.wait_indirect_dma semaphore(%arg15 : memref<!tpu.dma_semaphore, #tpu.memory_space<semaphore_mem>>) src(%arg10 : memref<80x128xf32, #tpu.memory_space<vmem>>) dst(%dma_wait3A_129 : memref<10000x128xf32, #tpu.memory_space<vmem_shared>>)
      } else {
      }
      %add3A_73 = arith.constant 1 : i32
      %add3A_74 = arith.addi %add3A_68, %add3A_73 : i32
      %mul3A_75 = arith.constant 80 : i32
      %mul3A_76 = arith.muli %add3A_74, %mul3A_75 : i32
      %dma_start3A_77 = tpu.memref_slice %arg7[%mul3A_76] : memref<10000xi32, #tpu.memory_space<vmem>> -> memref<80xi32, #tpu.memory_space<vmem>>
      %dma_start3A_78 = arith.constant 0 : i32
      %dma_start3A_79 = arith.constant 0 : i32
      %dma_start3A_80 = tpu.memref_slice %arg2[%dma_start3A_78, %dma_start3A_79] : memref<10000x128xf32, #tpu.memory_space<hbm>> -> memref<10000x128xf32, #tpu.memory_space<hbm>>
      tpu.enqueue_indirect_dma source(%dma_start3A_80 : memref<10000x128xf32, #tpu.memory_space<hbm>>) target(%arg10 : memref<80x128xf32, #tpu.memory_space<vmem>>) offsets(%dma_start3A_77 : memref<80xi32, #tpu.memory_space<vmem>>) semaphore(%arg13 : memref<!tpu.dma_semaphore, #tpu.memory_space<semaphore_mem>>)
      %mul3A_81 = arith.constant 80 : i32
      %mul3A_82 = arith.muli %add3A_68, %mul3A_81 : i32
      %dma_wait3A_83 = tpu.memref_slice %arg7[%mul3A_82] : memref<10000xi32, #tpu.memory_space<vmem>> -> memref<80xi32, #tpu.memory_space<vmem>>
      %dma_wait3A_84 = arith.constant 0 : i32
      %dma_wait3A_85 = arith.constant 0 : i32
      %dma_wait3A_86 = tpu.memref_slice %arg2[%dma_wait3A_84, %dma_wait3A_85] : memref<10000x128xf32, #tpu.memory_space<hbm>> -> memref<10000x128xf32, #tpu.memory_space<hbm>>
      tpu.wait_indirect_dma semaphore(%arg12 : memref<!tpu.dma_semaphore, #tpu.memory_space<semaphore_mem>>) src(%dma_wait3A_86 : memref<10000x128xf32, #tpu.memory_space<hbm>>) dst(%arg9 : memref<80x128xf32, #tpu.memory_space<vmem>>)
      %dma_start3A_87 = arith.constant 0 : i32
      %dma_start3A_88 = tpu.memref_slice %arg8[%add3A_68, %dma_start3A_87] : memref<125x80xi32, #tpu.memory_space<vmem>> -> memref<1x80xi32, #tpu.memory_space<vmem>>
      %dma_start3A_89 = tpu.memref_squeeze %dma_start3A_88 : memref<1x80xi32, #tpu.memory_space<vmem>> -> memref<80xi32, #tpu.memory_space<vmem>>
      %dma_start3A_90 = arith.constant 0 : i32
      %dma_start3A_91 = arith.constant 0 : i32
      %dma_start3A_92 = tpu.memref_slice %arg11[%dma_start3A_90, %dma_start3A_91] : memref<10000x128xf32, #tpu.memory_space<vmem_shared>> -> memref<10000x128xf32, #tpu.memory_space<vmem_shared>>
      tpu.enqueue_indirect_dma source(%arg9 : memref<80x128xf32, #tpu.memory_space<vmem>>) target(%dma_start3A_92 : memref<10000x128xf32, #tpu.memory_space<vmem_shared>>) offsets(%dma_start3A_89 : memref<80xi32, #tpu.memory_space<vmem>>) semaphore(%arg14 : memref<!tpu.dma_semaphore, #tpu.memory_space<semaphore_mem>>) {add = true}
      %dma_wait3A_93 = arith.constant 0 : i32
      %dma_wait3A_94 = tpu.memref_slice %arg8[%add3A_68, %dma_wait3A_93] : memref<125x80xi32, #tpu.memory_space<vmem>> -> memref<1x80xi32, #tpu.memory_space<vmem>>
      %dma_wait3A_95 = tpu.memref_squeeze %dma_wait3A_94 : memref<1x80xi32, #tpu.memory_space<vmem>> -> memref<80xi32, #tpu.memory_space<vmem>>
      %dma_wait3A_96 = arith.constant 0 : i32
      %dma_wait3A_97 = arith.constant 0 : i32
      %dma_wait3A_98 = tpu.memref_slice %arg11[%dma_wait3A_96, %dma_wait3A_97] : memref<10000x128xf32, #tpu.memory_space<vmem_shared>> -> memref<10000x128xf32, #tpu.memory_space<vmem_shared>>
      tpu.wait_indirect_dma semaphore(%arg14 : memref<!tpu.dma_semaphore, #tpu.memory_space<semaphore_mem>>) src(%arg9 : memref<80x128xf32, #tpu.memory_space<vmem>>) dst(%dma_wait3A_98 : memref<10000x128xf32, #tpu.memory_space<vmem_shared>>)
      %add3A_99 = arith.constant 2 : i32
      %add3A_100 = arith.addi %add3A_68, %add3A_99 : i32
      %mul3A_101 = arith.constant 80 : i32
      %mul3A_102 = arith.muli %add3A_100, %mul3A_101 : i32
      %dma_start3A_103 = tpu.memref_slice %arg7[%mul3A_102] : memref<10000xi32, #tpu.memory_space<vmem>> -> memref<80xi32, #tpu.memory_space<vmem>>
      %dma_start3A_104 = arith.constant 0 : i32
      %dma_start3A_105 = arith.constant 0 : i32
      %dma_start3A_106 = tpu.memref_slice %arg2[%dma_start3A_104, %dma_start3A_105] : memref<10000x128xf32, #tpu.memory_space<hbm>> -> memref<10000x128xf32, #tpu.memory_space<hbm>>
      tpu.enqueue_indirect_dma source(%dma_start3A_106 : memref<10000x128xf32, #tpu.memory_space<hbm>>) target(%arg9 : memref<80x128xf32, #tpu.memory_space<vmem>>) offsets(%dma_start3A_103 : memref<80xi32, #tpu.memory_space<vmem>>) semaphore(%arg12 : memref<!tpu.dma_semaphore, #tpu.memory_space<semaphore_mem>>)
      %add3A_107 = arith.constant 1 : i32
      %add3A_108 = arith.addi %add3A_68, %add3A_107 : i32
      %mul3A_109 = arith.constant 80 : i32
      %mul3A_110 = arith.muli %add3A_108, %mul3A_109 : i32
      %dma_wait3A_111 = tpu.memref_slice %arg7[%mul3A_110] : memref<10000xi32, #tpu.memory_space<vmem>> -> memref<80xi32, #tpu.memory_space<vmem>>
      %dma_wait3A_112 = arith.constant 0 : i32
      %dma_wait3A_113 = arith.constant 0 : i32
      %dma_wait3A_114 = tpu.memref_slice %arg2[%dma_wait3A_112, %dma_wait3A_113] : memref<10000x128xf32, #tpu.memory_space<hbm>> -> memref<10000x128xf32, #tpu.memory_space<hbm>>
      tpu.wait_indirect_dma semaphore(%arg13 : memref<!tpu.dma_semaphore, #tpu.memory_space<semaphore_mem>>) src(%dma_wait3A_114 : memref<10000x128xf32, #tpu.memory_space<hbm>>) dst(%arg10 : memref<80x128xf32, #tpu.memory_space<vmem>>)
      %add3A_115 = arith.constant 1 : i32
      %add3A_116 = arith.addi %add3A_68, %add3A_115 : i32
      %dma_start3A_117 = arith.constant 0 : i32
      %dma_start3A_118 = tpu.memref_slice %arg8[%add3A_116, %dma_start3A_117] : memref<125x80xi32, #tpu.memory_space<vmem>> -> memref<1x80xi32, #tpu.memory_space<vmem>>
      %dma_start3A_119 = tpu.memref_squeeze %dma_start3A_118 : memref<1x80xi32, #tpu.memory_space<vmem>> -> memref<80xi32, #tpu.memory_space<vmem>>
      %dma_start3A_120 = arith.constant 0 : i32
      %dma_start3A_121 = arith.constant 0 : i32
      %dma_start3A_122 = tpu.memref_slice %arg11[%dma_start3A_120, %dma_start3A_121] : memref<10000x128xf32, #tpu.memory_space<vmem_shared>> -> memref<10000x128xf32, #tpu.memory_space<vmem_shared>>
      tpu.enqueue_indirect_dma source(%arg10 : memref<80x128xf32, #tpu.memory_space<vmem>>) target(%dma_start3A_122 : memref<10000x128xf32, #tpu.memory_space<vmem_shared>>) offsets(%dma_start3A_119 : memref<80xi32, #tpu.memory_space<vmem>>) semaphore(%arg15 : memref<!tpu.dma_semaphore, #tpu.memory_space<semaphore_mem>>) {add = true}
    }
    %scan3A_28 = arith.constant 62 : i32
    %dma_wait3A = arith.constant 9920 : i32
    %dma_wait3A_29 = tpu.memref_slice %arg7[%dma_wait3A] : memref<10000xi32, #tpu.memory_space<vmem>> -> memref<80xi32, #tpu.memory_space<vmem>>
    %dma_wait3A_30 = arith.constant 0 : i32
    %dma_wait3A_31 = arith.constant 0 : i32
    %dma_wait3A_32 = tpu.memref_slice %arg2[%dma_wait3A_30, %dma_wait3A_31] : memref<10000x128xf32, #tpu.memory_space<hbm>> -> memref<10000x128xf32, #tpu.memory_space<hbm>>
    tpu.wait_indirect_dma semaphore(%arg12 : memref<!tpu.dma_semaphore, #tpu.memory_space<semaphore_mem>>) src(%dma_wait3A_32 : memref<10000x128xf32, #tpu.memory_space<hbm>>) dst(%arg9 : memref<80x128xf32, #tpu.memory_space<vmem>>)
    %dma_start3A_33 = arith.constant 124 : i32
    %dma_start3A_34 = arith.constant 0 : i32
    %dma_start3A_35 = tpu.memref_slice %arg8[%dma_start3A_33, %dma_start3A_34] : memref<125x80xi32, #tpu.memory_space<vmem>> -> memref<1x80xi32, #tpu.memory_space<vmem>>
    %dma_start3A_36 = tpu.memref_squeeze %dma_start3A_35 : memref<1x80xi32, #tpu.memory_space<vmem>> -> memref<80xi32, #tpu.memory_space<vmem>>
    %dma_start3A_37 = arith.constant 0 : i32
    %dma_start3A_38 = arith.constant 0 : i32
    %dma_start3A_39 = tpu.memref_slice %arg11[%dma_start3A_37, %dma_start3A_38] : memref<10000x128xf32, #tpu.memory_space<vmem_shared>> -> memref<10000x128xf32, #tpu.memory_space<vmem_shared>>
    tpu.enqueue_indirect_dma source(%arg9 : memref<80x128xf32, #tpu.memory_space<vmem>>) target(%dma_start3A_39 : memref<10000x128xf32, #tpu.memory_space<vmem_shared>>) offsets(%dma_start3A_36 : memref<80xi32, #tpu.memory_space<vmem>>) semaphore(%arg14 : memref<!tpu.dma_semaphore, #tpu.memory_space<semaphore_mem>>) {add = true}
    %dma_wait3A_40 = arith.constant 123 : i32
    %dma_wait3A_41 = arith.constant 0 : i32
    %dma_wait3A_42 = tpu.memref_slice %arg8[%dma_wait3A_40, %dma_wait3A_41] : memref<125x80xi32, #tpu.memory_space<vmem>> -> memref<1x80xi32, #tpu.memory_space<vmem>>
    %dma_wait3A_43 = tpu.memref_squeeze %dma_wait3A_42 : memref<1x80xi32, #tpu.memory_space<vmem>> -> memref<80xi32, #tpu.memory_space<vmem>>
    %dma_wait3A_44 = arith.constant 0 : i32
    %dma_wait3A_45 = arith.constant 0 : i32
    %dma_wait3A_46 = tpu.memref_slice %arg11[%dma_wait3A_44, %dma_wait3A_45] : memref<10000x128xf32, #tpu.memory_space<vmem_shared>> -> memref<10000x128xf32, #tpu.memory_space<vmem_shared>>
    tpu.wait_indirect_dma semaphore(%arg15 : memref<!tpu.dma_semaphore, #tpu.memory_space<semaphore_mem>>) src(%arg10 : memref<80x128xf32, #tpu.memory_space<vmem>>) dst(%dma_wait3A_46 : memref<10000x128xf32, #tpu.memory_space<vmem_shared>>)
    %dma_wait3A_47 = arith.constant 124 : i32
    %dma_wait3A_48 = arith.constant 0 : i32
    %dma_wait3A_49 = tpu.memref_slice %arg8[%dma_wait3A_47, %dma_wait3A_48] : memref<125x80xi32, #tpu.memory_space<vmem>> -> memref<1x80xi32, #tpu.memory_space<vmem>>
    %dma_wait3A_50 = tpu.memref_squeeze %dma_wait3A_49 : memref<1x80xi32, #tpu.memory_space<vmem>> -> memref<80xi32, #tpu.memory_space<vmem>>
    %dma_wait3A_51 = arith.constant 0 : i32
    %dma_wait3A_52 = arith.constant 0 : i32
    %dma_wait3A_53 = tpu.memref_slice %arg11[%dma_wait3A_51, %dma_wait3A_52] : memref<10000x128xf32, #tpu.memory_space<vmem_shared>> -> memref<10000x128xf32, #tpu.memory_space<vmem_shared>>
    tpu.wait_indirect_dma semaphore(%arg14 : memref<!tpu.dma_semaphore, #tpu.memory_space<semaphore_mem>>) src(%arg9 : memref<80x128xf32, #tpu.memory_space<vmem>>) dst(%dma_wait3A_53 : memref<10000x128xf32, #tpu.memory_space<vmem_shared>>)
    %barrier3A_54 = arith.constant 0 : index
    tpu.barrier barrier_id(%barrier3A_54)
    %mul3A_55 = arith.constant 624 : i32
    %mul3A_56 = arith.muli %arg1, %mul3A_55 : i32
    %mul3A_57 = arith.constant 624 : i32
    %mul3A_58 = arith.muli %arg1, %mul3A_57 : i32
    "tpu.region"() ({
      %run_scoped3A = tpu.sem_alloc : memref<!tpu.dma_semaphore, #tpu.memory_space<semaphore_mem>>
      %dma_start3A_64 = arith.constant 0 : i32
      %dma_start3A_65 = tpu.memref_slice %arg5[%arg0, %mul3A_58, %dma_start3A_64] : memref<2x10000x128xf32, #tpu.memory_space<hbm>> -> memref<1x624x128xf32, #tpu.memory_space<hbm>>
      %dma_start3A_66 = tpu.memref_squeeze %dma_start3A_65 : memref<1x624x128xf32, #tpu.memory_space<hbm>> -> memref<624x128xf32, #tpu.memory_space<hbm>>
      %dma_start3A_67 = arith.constant 0 : i32
      %dma_start3A_68 = tpu.memref_slice %arg11[%mul3A_56, %dma_start3A_67] : memref<10000x128xf32, #tpu.memory_space<vmem_shared>> -> memref<624x128xf32, #tpu.memory_space<vmem_shared>>
      tpu.enqueue_dma source(%dma_start3A_68 : memref<624x128xf32, #tpu.memory_space<vmem_shared>>) target(%dma_start3A_66 : memref<624x128xf32, #tpu.memory_space<hbm>>) target_semaphore(%run_scoped3A : memref<!tpu.dma_semaphore, #tpu.memory_space<semaphore_mem>>)
      %dma_wait3A_69 = arith.constant 0 : i32
      %dma_wait3A_70 = tpu.memref_slice %arg5[%arg0, %mul3A_58, %dma_wait3A_69] : memref<2x10000x128xf32, #tpu.memory_space<hbm>> -> memref<1x624x128xf32, #tpu.memory_space<hbm>>
      %dma_wait3A_71 = tpu.memref_squeeze %dma_wait3A_70 : memref<1x624x128xf32, #tpu.memory_space<hbm>> -> memref<624x128xf32, #tpu.memory_space<hbm>>
      %dma_wait3A_72 = arith.constant 0 : i32
      %dma_wait3A_73 = tpu.memref_slice %arg11[%mul3A_56, %dma_wait3A_72] : memref<10000x128xf32, #tpu.memory_space<vmem_shared>> -> memref<624x128xf32, #tpu.memory_space<vmem_shared>>
      tpu.wait_dma2 semaphore(%run_scoped3A : memref<!tpu.dma_semaphore, #tpu.memory_space<semaphore_mem>>) src(%dma_wait3A_73 : memref<624x128xf32, #tpu.memory_space<vmem_shared>>) dst(%dma_wait3A_71 : memref<624x128xf32, #tpu.memory_space<hbm>>)
      tpu.yield
    }) : () -> ()
    %eq3A_59 = arith.constant 15 : i32
    %eq3A_60 = arith.cmpi eq, %arg1, %eq3A_59 : i32
    %convert_element_type3A_61 = arith.extui %eq3A_60 : i1 to i32
    %cond3A_62 = arith.constant 0 : i32
    %cond3A_63 = arith.cmpi ne, %convert_element_type3A_61, %cond3A_62 : i32
    scf.if %cond3A_63 {
      "tpu.region"() ({
        %run_scoped3A = tpu.sem_alloc : memref<!tpu.dma_semaphore, #tpu.memory_space<semaphore_mem>>
        %dma_start3A_64 = arith.constant 9984 : i32
        %dma_start3A_65 = arith.constant 0 : i32
        %dma_start3A_66 = tpu.memref_slice %arg5[%arg0, %dma_start3A_64, %dma_start3A_65] : memref<2x10000x128xf32, #tpu.memory_space<hbm>> -> memref<1x16x128xf32, #tpu.memory_space<hbm>>
        %dma_start3A_67 = tpu.memref_squeeze %dma_start3A_66 : memref<1x16x128xf32, #tpu.memory_space<hbm>> -> memref<16x128xf32, #tpu.memory_space<hbm>>
        %dma_start3A_68 = arith.constant 9984 : i32
        %dma_start3A_69 = arith.constant 0 : i32
        %dma_start3A_70 = tpu.memref_slice %arg11[%dma_start3A_68, %dma_start3A_69] : memref<10000x128xf32, #tpu.memory_space<vmem_shared>> -> memref<16x128xf32, #tpu.memory_space<vmem_shared>>
        tpu.enqueue_dma source(%dma_start3A_70 : memref<16x128xf32, #tpu.memory_space<vmem_shared>>) target(%dma_start3A_67 : memref<16x128xf32, #tpu.memory_space<hbm>>) target_semaphore(%run_scoped3A : memref<!tpu.dma_semaphore, #tpu.memory_space<semaphore_mem>>)
        %dma_wait3A_71 = arith.constant 9984 : i32
        %dma_wait3A_72 = arith.constant 0 : i32
        %dma_wait3A_73 = tpu.memref_slice %arg5[%arg0, %dma_wait3A_71, %dma_wait3A_72] : memref<2x10000x128xf32, #tpu.memory_space<hbm>> -> memref<1x16x128xf32, #tpu.memory_space<hbm>>
        %dma_wait3A_74 = tpu.memref_squeeze %dma_wait3A_73 : memref<1x16x128xf32, #tpu.memory_space<hbm>> -> memref<16x128xf32, #tpu.memory_space<hbm>>
        %dma_wait3A_75 = arith.constant 9984 : i32
        %dma_wait3A_76 = arith.constant 0 : i32
        %dma_wait3A_77 = tpu.memref_slice %arg11[%dma_wait3A_75, %dma_wait3A_76] : memref<10000x128xf32, #tpu.memory_space<vmem_shared>> -> memref<16x128xf32, #tpu.memory_space<vmem_shared>>
        tpu.wait_dma2 semaphore(%run_scoped3A : memref<!tpu.dma_semaphore, #tpu.memory_space<semaphore_mem>>) src(%dma_wait3A_77 : memref<16x128xf32, #tpu.memory_space<vmem_shared>>) dst(%dma_wait3A_74 : memref<16x128xf32, #tpu.memory_space<hbm>>)
        tpu.yield
      }) : () -> ()
    } else {
    }
    return
  }
}

module attributes {stable_mosaic.version = 14 : i64} {
  func.func @body(%arg0: i32, %arg1: memref<2000x128xf32, #tpu.memory_space<vmem>>, %arg2: memref<128x128xf32, #tpu.memory_space<vmem>>, %arg3: memref<2000x1xf32, #tpu.memory_space<vmem>>, %arg4: memref<2000x128xf32, #tpu.memory_space<vmem>>) attributes {dimension_semantics = [#tpu.dimension_semantics<arbitrary>], iteration_bounds = array<i64: 5>, scalar_prefetch = 0 : i64, scratch_operands = 0 : i64, tpu.core_type = #tpu.core_type<tc>, window_params = [{transform_indices = @transform_0, window_bounds = array<i64: 2000, 128>}, {pipeline_mode = #tpu.pipeline_mode<synchronous>, transform_indices = @transform_1, window_bounds = array<i64: 128, 128>}, {transform_indices = @transform_2, window_bounds = array<i64: 2000, 1>}, {transform_indices = @transform_3, window_bounds = array<i64: 2000, 128>}]} {
    %get3A = arith.constant 0 : index
    %get3A_0 = arith.constant 0 : index
    %get3A_1 = vector.load %arg1[%get3A, %get3A_0] : memref<2000x128xf32, #tpu.memory_space<vmem>>, vector<2000x128xf32>
    %get3A_2 = arith.constant 0 : index
    %get3A_3 = arith.constant 0 : index
    %get3A_4 = vector.load %arg2[%get3A_2, %get3A_3] : memref<128x128xf32, #tpu.memory_space<vmem>>, vector<128x128xf32>
    %dot_general3A = arith.constant dense<0.000000e+00> : vector<2000x128xf32>
    %dot_general3A_5 = tpu.matmul %get3A_1, %get3A_4, %dot_general3A {dimension_numbers = #tpu.dot_dimension_numbers<[1], [0], [0], [1], [0, 0, 1, 1], [], []>, transpose_lhs_hint = false} : vector<2000x128xf32>, vector<128x128xf32>, vector<2000x128xf32> -> vector<2000x128xf32>
    %get3A_6 = arith.constant 0 : index
    %get3A_7 = arith.constant 0 : index
    %get3A_8 = vector.load %arg3[%get3A_6, %get3A_7] : memref<2000x1xf32, #tpu.memory_space<vmem>>, vector<2000x1xf32>
    %mul3A = vector.broadcast %get3A_8 : vector<2000x1xf32> to vector<2000x128xf32>
    %mul3A_9 = arith.mulf %dot_general3A_5, %mul3A : vector<2000x128xf32>
    %swap3A = arith.constant 0 : index
    %swap3A_10 = arith.constant 0 : index
    %swap3A_11 = vector.load %arg4[%swap3A, %swap3A_10] : memref<2000x128xf32, #tpu.memory_space<vmem>>, vector<2000x128xf32>
    tpu.vector_store %arg4[%swap3A, %swap3A_10], %mul3A_9 {strides = array<i32>} : memref<2000x128xf32, #tpu.memory_space<vmem>>, vector<2000x128xf32>,
    return
  }
  func.func @transform_0(%arg0: i32) -> (i32, i32) {
    %c0_i32 = arith.constant 0 : i32
    %c0_i32_0 = arith.constant 0 : i32
    return %arg0, %c0_i32 : i32, i32
  }
  func.func @transform_1(%arg0: i32) -> (i32, i32) {
    %c0_i32 = arith.constant 0 : i32
    %c0_i32_0 = arith.constant 0 : i32
    %c0_i32_1 = arith.constant 0 : i32
    return %c0_i32, %c0_i32_0 : i32, i32
  }
  func.func @transform_2(%arg0: i32) -> (i32, i32) {
    %c0_i32 = arith.constant 0 : i32
    %c0_i32_0 = arith.constant 0 : i32
    return %arg0, %c0_i32 : i32, i32
  }
  func.func @transform_3(%arg0: i32) -> (i32, i32) {
    %c0_i32 = arith.constant 0 : i32
    %c0_i32_0 = arith.constant 0 : i32
    return %arg0, %c0_i32 : i32, i32
  }
}

module attributes {stable_mosaic.version = 14 : i64} {
  func.func @body(%arg0: i32, %arg1: memref<2x2000x128xf32, #tpu.memory_space<vmem>>, %arg2: memref<2000x128xf32, #tpu.memory_space<vmem>>, %arg3: memref<2000x1xf32, #tpu.memory_space<vmem>>, %arg4: memref<1x128xf32, #tpu.memory_space<vmem>>, %arg5: memref<128x128xf32, #tpu.memory_space<vmem>>, %arg6: memref<2000x128xf32, #tpu.memory_space<vmem>>) attributes {dimension_semantics = [#tpu.dimension_semantics<arbitrary>], iteration_bounds = array<i64: 5>, scalar_prefetch = 0 : i64, scratch_operands = 0 : i64, tpu.core_type = #tpu.core_type<tc>, window_params = [{transform_indices = @transform_0, window_bounds = array<i64: 2, 2000, 128>}, {transform_indices = @transform_1, window_bounds = array<i64: 2000, 128>}, {transform_indices = @transform_2, window_bounds = array<i64: 2000, 1>}, {pipeline_mode = #tpu.pipeline_mode<synchronous>, transform_indices = @transform_3, window_bounds = array<i64: 1, 128>}, {pipeline_mode = #tpu.pipeline_mode<synchronous>, transform_indices = @transform_4, window_bounds = array<i64: 128, 128>}, {transform_indices = @transform_5, window_bounds = array<i64: 2000, 128>}]} {
    %get3A = arith.constant 0 : index
    %get3A_0 = arith.constant 0 : index
    %get3A_1 = arith.constant 0 : index
    %get3A_2 = vector.load %arg1[%get3A, %get3A_0, %get3A_1] : memref<2x2000x128xf32, #tpu.memory_space<vmem>>, vector<1x2000x128xf32>
    %get3A_3 = vector.shape_cast %get3A_2 : vector<1x2000x128xf32> to vector<2000x128xf32>
    %get3A_4 = arith.constant 1 : index
    %get3A_5 = arith.constant 0 : index
    %get3A_6 = arith.constant 0 : index
    %get3A_7 = vector.load %arg1[%get3A_4, %get3A_5, %get3A_6] : memref<2x2000x128xf32, #tpu.memory_space<vmem>>, vector<1x2000x128xf32>
    %get3A_8 = vector.shape_cast %get3A_7 : vector<1x2000x128xf32> to vector<2000x128xf32>
    %add3A = arith.addf %get3A_3, %get3A_8 : vector<2000x128xf32>
    %get3A_9 = arith.constant 0 : index
    %get3A_10 = arith.constant 0 : index
    %get3A_11 = vector.load %arg2[%get3A_9, %get3A_10] : memref<2000x128xf32, #tpu.memory_space<vmem>>, vector<2000x128xf32>
    %add3A_12 = arith.addf %add3A, %get3A_11 : vector<2000x128xf32>
    %get3A_13 = arith.constant 0 : index
    %get3A_14 = arith.constant 0 : index
    %get3A_15 = vector.load %arg3[%get3A_13, %get3A_14] : memref<2000x1xf32, #tpu.memory_space<vmem>>, vector<2000x1xf32>
    %mul3A = vector.broadcast %get3A_15 : vector<2000x1xf32> to vector<2000x128xf32>
    %mul3A_16 = arith.mulf %add3A_12, %mul3A : vector<2000x128xf32>
    %get3A_17 = arith.constant 0 : index
    %get3A_18 = arith.constant 0 : index
    %get3A_19 = vector.load %arg4[%get3A_17, %get3A_18] : memref<1x128xf32, #tpu.memory_space<vmem>>, vector<1x128xf32>
    %add3A_20 = vector.broadcast %get3A_19 : vector<1x128xf32> to vector<2000x128xf32>
    %add3A_21 = arith.addf %mul3A_16, %add3A_20 : vector<2000x128xf32>
    %max3A = arith.constant 0.000000e+00 : f32
    %max3A_22 = vector.broadcast %max3A : f32 to vector<2000x128xf32>
    %max3A_23 = arith.maximumf %add3A_21, %max3A_22 : vector<2000x128xf32>
    %get3A_24 = arith.constant 0 : index
    %get3A_25 = arith.constant 0 : index
    %get3A_26 = vector.load %arg5[%get3A_24, %get3A_25] : memref<128x128xf32, #tpu.memory_space<vmem>>, vector<128x128xf32>
    %dot_general3A = arith.constant dense<0.000000e+00> : vector<2000x128xf32>
    %dot_general3A_27 = tpu.matmul %max3A_23, %get3A_26, %dot_general3A {dimension_numbers = #tpu.dot_dimension_numbers<[1], [0], [0], [1], [0, 0, 1, 1], [], []>, transpose_lhs_hint = false} : vector<2000x128xf32>, vector<128x128xf32>, vector<2000x128xf32> -> vector<2000x128xf32>
    %get3A_28 = arith.constant 0 : index
    %get3A_29 = arith.constant 0 : index
    %get3A_30 = vector.load %arg3[%get3A_28, %get3A_29] : memref<2000x1xf32, #tpu.memory_space<vmem>>, vector<2000x1xf32>
    %mul3A_31 = vector.broadcast %get3A_30 : vector<2000x1xf32> to vector<2000x128xf32>
    %mul3A_32 = arith.mulf %dot_general3A_27, %mul3A_31 : vector<2000x128xf32>
    %swap3A = arith.constant 0 : index
    %swap3A_33 = arith.constant 0 : index
    %swap3A_34 = vector.load %arg6[%swap3A, %swap3A_33] : memref<2000x128xf32, #tpu.memory_space<vmem>>, vector<2000x128xf32>
    tpu.vector_store %arg6[%swap3A, %swap3A_33], %mul3A_32 {strides = array<i32>} : memref<2000x128xf32, #tpu.memory_space<vmem>>, vector<2000x128xf32>,
    return
  }
  func.func @transform_0(%arg0: i32) -> (i32, i32, i32) {
    %c0_i32 = arith.constant 0 : i32
    %c0_i32_0 = arith.constant 0 : i32
    %c0_i32_1 = arith.constant 0 : i32
    return %c0_i32, %arg0, %c0_i32_0 : i32, i32, i32
  }
  func.func @transform_1(%arg0: i32) -> (i32, i32) {
    %c0_i32 = arith.constant 0 : i32
    %c0_i32_0 = arith.constant 0 : i32
    return %arg0, %c0_i32 : i32, i32
  }
  func.func @transform_2(%arg0: i32) -> (i32, i32) {
    %c0_i32 = arith.constant 0 : i32
    %c0_i32_0 = arith.constant 0 : i32
    return %arg0, %c0_i32 : i32, i32
  }
  func.func @transform_3(%arg0: i32) -> (i32, i32) {
    %c0_i32 = arith.constant 0 : i32
    %c0_i32_0 = arith.constant 0 : i32
    %c0_i32_1 = arith.constant 0 : i32
    return %c0_i32, %c0_i32_0 : i32, i32
  }
  func.func @transform_4(%arg0: i32) -> (i32, i32) {
    %c0_i32 = arith.constant 0 : i32
    %c0_i32_0 = arith.constant 0 : i32
    %c0_i32_1 = arith.constant 0 : i32
    return %c0_i32, %c0_i32_0 : i32, i32
  }
  func.func @transform_5(%arg0: i32) -> (i32, i32) {
    %c0_i32 = arith.constant 0 : i32
    %c0_i32_0 = arith.constant 0 : i32
    return %arg0, %c0_i32 : i32, i32
  }
}

module attributes {stable_mosaic.version = 14 : i64} {
  func.func @body(%arg0: i32, %arg1: memref<2x2000x128xf32, #tpu.memory_space<vmem>>, %arg2: memref<2000x128xf32, #tpu.memory_space<vmem>>, %arg3: memref<2000x1xf32, #tpu.memory_space<vmem>>, %arg4: memref<1x128xf32, #tpu.memory_space<vmem>>, %arg5: memref<2000x128xf32, #tpu.memory_space<vmem>>) attributes {dimension_semantics = [#tpu.dimension_semantics<arbitrary>], iteration_bounds = array<i64: 5>, scalar_prefetch = 0 : i64, scratch_operands = 0 : i64, tpu.core_type = #tpu.core_type<tc>, window_params = [{transform_indices = @transform_0, window_bounds = array<i64: 2, 2000, 128>}, {transform_indices = @transform_1, window_bounds = array<i64: 2000, 128>}, {transform_indices = @transform_2, window_bounds = array<i64: 2000, 1>}, {pipeline_mode = #tpu.pipeline_mode<synchronous>, transform_indices = @transform_3, window_bounds = array<i64: 1, 128>}, {transform_indices = @transform_4, window_bounds = array<i64: 2000, 128>}]} {
    %get3A = arith.constant 0 : index
    %get3A_0 = arith.constant 0 : index
    %get3A_1 = arith.constant 0 : index
    %get3A_2 = vector.load %arg1[%get3A, %get3A_0, %get3A_1] : memref<2x2000x128xf32, #tpu.memory_space<vmem>>, vector<1x2000x128xf32>
    %get3A_3 = vector.shape_cast %get3A_2 : vector<1x2000x128xf32> to vector<2000x128xf32>
    %get3A_4 = arith.constant 1 : index
    %get3A_5 = arith.constant 0 : index
    %get3A_6 = arith.constant 0 : index
    %get3A_7 = vector.load %arg1[%get3A_4, %get3A_5, %get3A_6] : memref<2x2000x128xf32, #tpu.memory_space<vmem>>, vector<1x2000x128xf32>
    %get3A_8 = vector.shape_cast %get3A_7 : vector<1x2000x128xf32> to vector<2000x128xf32>
    %add3A = arith.addf %get3A_3, %get3A_8 : vector<2000x128xf32>
    %get3A_9 = arith.constant 0 : index
    %get3A_10 = arith.constant 0 : index
    %get3A_11 = vector.load %arg2[%get3A_9, %get3A_10] : memref<2000x128xf32, #tpu.memory_space<vmem>>, vector<2000x128xf32>
    %add3A_12 = arith.addf %add3A, %get3A_11 : vector<2000x128xf32>
    %get3A_13 = arith.constant 0 : index
    %get3A_14 = arith.constant 0 : index
    %get3A_15 = vector.load %arg3[%get3A_13, %get3A_14] : memref<2000x1xf32, #tpu.memory_space<vmem>>, vector<2000x1xf32>
    %mul3A = vector.broadcast %get3A_15 : vector<2000x1xf32> to vector<2000x128xf32>
    %mul3A_16 = arith.mulf %add3A_12, %mul3A : vector<2000x128xf32>
    %get3A_17 = arith.constant 0 : index
    %get3A_18 = arith.constant 0 : index
    %get3A_19 = vector.load %arg4[%get3A_17, %get3A_18] : memref<1x128xf32, #tpu.memory_space<vmem>>, vector<1x128xf32>
    %add3A_20 = vector.broadcast %get3A_19 : vector<1x128xf32> to vector<2000x128xf32>
    %add3A_21 = arith.addf %mul3A_16, %add3A_20 : vector<2000x128xf32>
    %swap3A = arith.constant 0 : index
    %swap3A_22 = arith.constant 0 : index
    %swap3A_23 = vector.load %arg5[%swap3A, %swap3A_22] : memref<2000x128xf32, #tpu.memory_space<vmem>>, vector<2000x128xf32>
    tpu.vector_store %arg5[%swap3A, %swap3A_22], %add3A_21 {strides = array<i32>} : memref<2000x128xf32, #tpu.memory_space<vmem>>, vector<2000x128xf32>,
    return
  }
  func.func @transform_0(%arg0: i32) -> (i32, i32, i32) {
    %c0_i32 = arith.constant 0 : i32
    %c0_i32_0 = arith.constant 0 : i32
    %c0_i32_1 = arith.constant 0 : i32
    return %c0_i32, %arg0, %c0_i32_0 : i32, i32, i32
  }
  func.func @transform_1(%arg0: i32) -> (i32, i32) {
    %c0_i32 = arith.constant 0 : i32
    %c0_i32_0 = arith.constant 0 : i32
    return %arg0, %c0_i32 : i32, i32
  }
  func.func @transform_2(%arg0: i32) -> (i32, i32) {
    %c0_i32 = arith.constant 0 : i32
    %c0_i32_0 = arith.constant 0 : i32
    return %arg0, %c0_i32 : i32, i32
  }
  func.func @transform_3(%arg0: i32) -> (i32, i32) {
    %c0_i32 = arith.constant 0 : i32
    %c0_i32_0 = arith.constant 0 : i32
    %c0_i32_1 = arith.constant 0 : i32
    return %c0_i32, %c0_i32_0 : i32, i32
  }
  func.func @transform_4(%arg0: i32) -> (i32, i32) {
    %c0_i32 = arith.constant 0 : i32
    %c0_i32_0 = arith.constant 0 : i32
    return %arg0, %c0_i32 : i32, i32
  }
}

</mosaic_0001>

<sc_bundles>
// kernel: kernel.11.cloned.1.call-start
scs
__scs_entry_jumppad:
0x0: {  	(pc) =	sbr.rel $0x88, $3  }
0x1: {  	(tag) =	ssettag $0x0;
	lr =	simm.s32 $0x1  }
0x2: {  	[smem:$0x3F9B] =	sst lr;
	_ =	strace $0xD0000000  }
0x3: {  	_ = 	snop  }
0x4: {  	_ = 	snop  }
0x5: {  	_ = 	snop  }
0x6: {  	_ = 	snop  }
0x7: {  	_ = 	snop  }
__scs_overlays_trampoline_lowered:
0x8: {  	[smem:$0x3FAA] =	sst s0  }
0x9: {  	[smem:$0x3FAB] =	sst s1  }
0xa: {  	[smem:$0x3FAC] =	sst s2  }
0xb: {  	[smem:$0x3FAD] =	sst s3  }
0xc: {  	[smem:$0x3FAE] =	sst s4  }
0xd: {  	[smem:$0x3FAF] =	sst s5  }
0xe: {  	[smem:$0x3FB0] =	sst s6  }
0xf: {  	[smem:$0x3FB1] =	sst s7  }
0x10: {  	[smem:$0x3FB2] =	sst s8  }
0x11: {  	[smem:$0x3FB3] =	sst s9;
	s0 =	simm.s32 @!p0 $0x0  }
0x12: {  	s1 =	sld [smem:$0x3F99];
	s0 =	simm.s32 @p0 $0x1  }
0x13: {  	[smem:$0x3FB4] =	sst s0;
	s0 =	simm.s32 @!p1 $0x0  }
0x14: {  	s2 =	sld [smem:$0x3F98];
	s0 =	simm.s32 @p1 $0x1  }
0x15: {  	[smem:$0x3FB5] =	sst s0;
	s0 =	simm.s32 @!p2 $0x0  }
0x16: {  	s3 =	sld [smem:$0x3FDB];
	s0 =	simm.s32 @p2 $0x1  }
0x17: {  	s4 =	simm.s32 $0x1BF5;
	[smem:$0x3FB7] =	sst s0  }
0x18: {  	s0 =	sld [smem:$0x3F9A];
	_ =	swait.ge [sflag:s4], $0x0  }
0x19: {  	s7 =	sld [smem:$0x3F9B]  }
0x1a: {  	s8 =	sadd.s32 $0xFFFFE003, lr  }
0x1b: {  	s9 =	sadd.s32 $0xFFFFFEF7, lr;
	s5 =	simm.s32 $0xFFFFFFFF;
	p2 =	slt.u32 s8, $0xFFFFF086  }
0x1c: {  	p1 =	slt.u32 s9, $0xF7A;
	s5 =	simm.s32 @!p2 $0x0  }
0x1d: {  	s5 =	simm.s32 @p1 $0x1;
	p0 =	seq.s32 s7, s2  }
0x1e: {  	s7 =	smul.u32 @!p0 $0xF7A, s2;
	p2 =	seq.s32 @!p0 s5, $0x0  }
0x1f: {  	s9 =	smul.u32 $0xF7A, s1;
	s8 =	simm.s32 @!p0 $0x1BF5;
	p2 =	por !p2, p0  }
0x20: {  	[sflag:s8] =	ssyncset.s32 @!p0 $0xFFFFF086;
	s6 =	sadd.s32 @!p0 s3, s7;
	s7 =	simm.s32 @!p0 $0x108  }
0x21: {  	s3 =	sadd.s32 s3, s9;
	s6 =	sadd.s32 @!p0 $0x88, s6;
	s7 =	simm.s32 @p2 $0x1082  }
0x22: {  	[simem:s7], [sflag:s8] =	dma.local @!p0 [hbm:s6], $0xF7A  }
0x23: {  	s9 =	sor.u32 $0xD0000000, s2;
	s6 =	simm.s32 $0x108;
	_ =	swait.ge @!p0 [sflag:s8], $0x0  }
0x24: {  	s3 =	sadd.s32 $0x88, s3;
	s6 =	simm.s32 @!p1 $0x1082;
	[sflag:s4] =	ssyncset.s32 $0xFFFFF086  }
0x25: {  	[simem:s6], [sflag:s4] =	dma.local [hbm:s3], $0xF7A  }
0x26: {  	[smem:$0x3F9B] =	sst s1;
	(tag) =	ssettag s2;
	_ =	strace s9  }
0x27: {  	s1 =	sld [smem:$0x3FAB]  }
0x28: {  	s2 =	sld [smem:$0x3FAC]  }
0x29: {  	s4 =	sld [smem:$0x3FAE]  }
0x2a: {  	p0 =	seq.s32 s5, $0x0;
	s5 =	sld [smem:$0x3FAF]  }
0x2b: {  	s6 =	sld [smem:$0x3FB0]  }
0x2c: {  	s7 =	sld [smem:$0x3FB1]  }
0x2d: {  	s3 =	simm.s32 $0x108;
	s8 =	sld [smem:$0x3FB2]  }
0x2e: {  	s3 =	simm.s32 @!p0 $0x1082;
	s9 =	sld [smem:$0x3FB3]  }
0x2f: {  	lr =	sadd.s32 s0, s3;
	s0 =	sld [smem:$0x3FAA]  }
0x30: {  	s3 =	sld [smem:$0x3FAD]  }
0x31: {  	[smem:$0x3FB6] =	sst s10  }
0x32: {  	s10 =	sld [smem:$0x3FB4];
	_ =	sdelay $0x3  }
0x33: {  	p0 =	seq.s32 s10, $0x1;
	s10 =	sld [smem:$0x3FB6];
	_ =	sdelay $0x3  }
0x34: {  	[smem:$0x3FB6] =	sst s10  }
0x35: {  	s10 =	sld [smem:$0x3FB5];
	_ =	sdelay $0x3  }
0x36: {  	p1 =	seq.s32 s10, $0x1;
	s10 =	sld [smem:$0x3FB6];
	_ =	sdelay $0x3  }
0x37: {  	[smem:$0x3FB6] =	sst s10  }
0x38: {  	s10 =	sld [smem:$0x3FB7]  }
0x39: {  	_ = 	snop;
	(pc) =	sbr.ind lr, $3  }
0x3a: {  	_ = 	snop  }
0x3b: {  	_ = 	snop  }
0x3c: {  	p2 =	seq.s32 s10, $0x1;
	s10 =	sld [smem:$0x3FB6]  }
0x3d: {  	_ =	shalt  }
0x3e: {  	_ =	shalt  }
0x3f: {  	_ =	shalt  }
0x40: {  	_ =	shalt  }
0x41: {  	_ =	shalt  }
0x42: {  	_ =	shalt  }
0x43: {  	_ =	shalt  }
0x44: {  	_ =	shalt  }
0x45: {  	_ =	shalt  }
0x46: {  	_ =	shalt  }
0x47: {  	_ =	shalt  }
0x48: {  	_ =	shalt  }
0x49: {  	_ =	shalt  }
0x4a: {  	_ =	shalt  }
0x4b: {  	_ =	shalt  }
0x4c: {  	_ =	shalt  }
0x4d: {  	_ =	shalt  }
0x4e: {  	_ =	shalt  }
0x4f: {  	_ =	shalt  }
0x50: {  	_ =	shalt  }
0x51: {  	_ =	shalt  }
0x52: {  	_ =	shalt  }
0x53: {  	_ =	shalt  }
0x54: {  	_ =	shalt  }
0x55: {  	_ =	shalt  }
0x56: {  	_ =	shalt  }
0x57: {  	_ =	shalt  }
0x58: {  	_ =	shalt  }
0x59: {  	_ =	shalt  }
0x5a: {  	_ =	shalt  }
0x5b: {  	_ =	shalt  }
0x5c: {  	_ =	shalt  }
0x5d: {  	_ =	shalt  }
0x5e: {  	_ =	shalt  }
0x5f: {  	_ =	shalt  }
0x60: {  	_ =	shalt  }
0x61: {  	_ =	shalt  }
0x62: {  	_ =	shalt  }
0x63: {  	_ =	shalt  }
0x64: {  	_ =	shalt  }
0x65: {  	_ =	shalt  }
0x66: {  	_ =	shalt  }
0x67: {  	_ =	shalt  }
0x68: {  	_ =	shalt  }
0x69: {  	_ =	shalt  }
0x6a: {  	_ =	shalt  }
0x6b: {  	_ =	shalt  }
0x6c: {  	_ =	shalt  }
0x6d: {  	_ =	shalt  }
0x6e: {  	_ =	shalt  }
0x6f: {  	_ =	shalt  }
0x70: {  	_ =	shalt  }
0x71: {  	_ =	shalt  }
0x72: {  	_ =	shalt  }
0x73: {  	_ =	shalt  }
0x74: {  	_ =	shalt  }
0x75: {  	_ =	shalt  }
0x76: {  	_ =	shalt  }
0x77: {  	_ =	shalt  }
0x78: {  	_ =	shalt  }
0x79: {  	_ =	shalt  }
0x7a: {  	_ =	shalt  }
0x7b: {  	_ =	shalt  }
0x7c: {  	_ =	shalt  }
0x7d: {  	_ =	shalt  }
0x7e: {  	_ =	shalt  }
0x7f: {  	_ =	shalt  }
0x80: {  	_ =	shalt  }
0x81: {  	_ =	shalt  }
0x82: {  	_ =	shalt  }
0x83: {  	_ =	shalt  }
0x84: {  	_ =	shalt  }
0x85: {  	_ =	shalt  }
0x86: {  	_ =	shalt  }
0x87: {  	_ =	shalt  }
.Lfunc_end0:
.L_simem_size_0:
called_computation.1_lowered:
.L_overlay_start_0:
0x88: {  	s2 =	sld [smem:$0x3FD9]  }
0x89: {  	s3 =	sld [smem:$0x3FFE];
	_ =	sdelay $0x1  }
0x8a: {  	s1 =	srdreg.scid  }
0x8b: {  	s0 =	sand.u32 $0x1, s1  }
0x8c: {  	s17 =	sshll.u32 s0, $0xA;
	s2 =	sadd.s32 s3, s2  }
0x8d: {  	s2 =	sadd.s32 s2, s17  }
0x8e: {  	[smem:$0x3FC2] =	sst s2  }
0x8f: {  	_ = 	snop  }
0x90: {  	s2 =	sld [smem:$0x3FD0];
	(tm) =	ssettm $0x1  }
0x91: {  	s18 =	sld [smem:$0x3FFB];
	_ =	sdelay $0x3  }
0x92: {  	_ =	strace s18  }
0x93: {  	s3 =	sld [smem:$0x3FFC];
	_ =	sdelay $0x3  }
0x94: {  	_ =	strace s3  }
0x95: {  	s3 =	sld [smem:$0x3FFD];
	_ =	sdelay $0x3  }
0x96: {  	_ =	strace s3  }
0x97: {  	_ =	strace $0x8FFFFFFF  }
0x98: {  	s19 =	sld [smem:$0x3FDB];
	_ =	sdelay $0x1  }
0x99: {  	s4 =	simm.s32 $_scs_section_size  }
0x9a: {  	s5 =	simm.s32 $_size__tile_overlayer_lowered;
	s6 =	simm.s32 $_tile_overlayer_lowered  }
0x9b: {  	s22 =	simm.s32 $0x1BFF;
	s21 =	sshll.u32 s6, $0x1;
	s3 =	sadd.s32 s4, s19  }
0x9c: {  	s7 =	simm.s32 $0x0;
	s20 =	sshll.u32 s5, $0x1;
	s5 =	sadd.s32 s21, s3  }
0x9d: {  	[timem:s7], [sflag:s22] =	dma.local [hbm:s5], s20  }
0x9e: {  	_ =	swait.ge [sflag:s22], s20  }
0x9f: {  	s4 =	ssub.s32 $0x0, s20;
	[sflag:s22] =	ssyncset.done $0x0  }
0xa0: {  	[sflag:s22] =	ssyncadd.s32 s4;
	_ =	sdelay $0x1  }
0xa1: {  	s23 =	simm.s32 $0x1B8B  }
0xa2: {  	_ =	swait.ge [sflag:s23], $0x1  }
0xa3: {  	[sflag:s23] =	ssyncset.done $0x0  }
0xa4: {  	s25 =	simm.s32 $0x1B8E;
	s24 =	sld [smem:$0x3FFE];
	[sflag:s23] =	ssyncadd.s32 $0xFFFFFFFF  }
0xa5: {  	s26 =	simm.s32 $execute0_lowered;
	[smem:$0x3FD2] =	sst s25  }
0xa6: {  	s5 =	sshll.u32 s26, $0x1;
	_ =	strace $0x80000049;
	[dreg:$0x1] =	wrdreg $0xFFFFFFFF  }
0xa7: {  	s28 =	simm.s32 $_size_execute0_lowered;
	s3 =	sadd.s32 s3, s5;
	[dreg:$0x0] =	wrdreg $0x0  }
0xa8: {  	s5 =	sshll.u32 s28, $0x1;
	[dreg:$0x2] =	wrdreg s3  }
0xa9: {  	[dreg:$0x3] =	wrdreg s5  }
0xaa: {  	[dreg:$0x4] =	wrdreg $0xC0  }
0xab: {  	_ =	task [dreg:s7], $0x5FFFF  }
0xac: {  	[dreg:$0x1] =	wrdreg $0xFFFFFFFF  }
0xad: {  	[dreg:$0x0] =	wrdreg $0x60  }
0xae: {  	[dreg:$0x2] =	wrdreg s2  }
0xaf: {  	[dreg:$0x3] =	wrdreg s24  }
0xb0: {  	[dreg:$0x4] =	wrdreg $0xBF800  }
0xb1: {  	[dreg:$0x5] =	wrdreg $0x9  }
0xb2: {  	_ =	task.clear_ibuf [dreg:s7], $0x6FFFF;
	_ =	strace $0x90000049  }
0xb3: {  	s29 =	simm.s32 $0x9;
	_ =	strace $0x8000004B  }
0xb4: {  	_ =	swait.ge [sflag:s29], $0x1  }
0xb5: {  	[sflag:s29] =	ssyncadd.s32 $0xFFFFFFFF  }
0xb6: {  	_ =	strace $0x9000004B  }
0xb7: {  	_ =	sfence  }
0xb8: {  	s30 =	sld [smem:$0x0];
	_ =	sdelay $0x2  }
0xb9: {  	s31 =	sshll.u32 s1, $0xD;
	s1 =	sshrl.u32 s1, $0x2  }
0xba: {  	s3 =	sand.u32 $0x4000, s31;
	s1 =	sadd.s32 s1, s30  }
0xbb: {  	s0 =	sor.u32 s3, s0;
	s1 =	sshll.u32 s1, $0x11  }
0xbc: {  	s0 =	sor.u32 s1, s0  }
0xbd: {  	s0 =	sadd.s32 $0x8F2B, s0  }
0xbe: {  	[sflag:s0] =	ssyncadd.remote.s32 $0x1  }
0xbf: {  	_ =	sfence.sel $0xFFFF  }
0xc0: {  	[dreg:$0x0] =	wrdreg $0xFFFFFFFF;
	(pc) =	sbr.abs _section_cstart, $3  }
0xc1: {  	[dreg:$0x1] =	wrdreg $0xFFFFFFFF  }
0xc2: {  	_ =	task.clear_ibuf [dreg:s7], $0x2FFFF;
	_ =	strace $0x9FFFFFFF  }
0xc3: {  	(tm) =	ssettm $0x7FFFFFFF  }
tec
execute0_lowered:
.L_overlay_start_1:
0x0: {  	(tag) =	ssettag $0x1  }
0x1: {  	s1 =	rddreg [dreg:$0x0]  }
0x2: {  	s0 =	srdreg.scid;
	s5 =	rddreg [dreg:$0x1]  }
0x3: {  	s11 =	stileid.u32;
	s3 =	rddreg [dreg:$0x2];
	s0 =	sand.u32 $0x1, s0  }
0x4: {  	s7 =	sshll.u32 s11, $0x7;
	s15 =	smul.u32 $0x4E000, s11;
	s2 =	sshll.u32 s0, $0x4  }
0x5: {  	s7 =	sand.u32 $0x380, s7;
	s8 =	ssub.s32 $0x2, s0;
	s2 =	sor.u32 s11, s2  }
0x6: {  	s9 =	sshrl.u32 s8, $0x1;
	s16 =	sshrl.u32 s15, $0x2;
	s4 =	sshrl.u32 s2, $0x3  }
0x7: {  	s2 =	sshll.u32 s2, $0xB;
	s9 =	ssub.s32 s8, s9;
	s6 =	smul.u32 $0x13C00, s4  }
0x8: {  	s4 =	simm.s32 $0x0;
	s2 =	sadd.s32 s2, s5;
	s19 =	smax.u32 s9, $0x1  }
0x9: {  	[smem:$0x7FF] =	sst s4;
	s2 =	sadd.s32 $0x1E00, s2;
	s6 =	sor.u32 s7, s6  }
0xa: {  	_ =	strace $0x8000004A;
	[dreg:$0x5] =	wrdreg s2;
	s7 =	sadd.s32 s16, s3  }
0xb: {  	[dreg:$0x8] =	wrdreg s19;
	s20 =	sadd.s32 $0x800, s7  }
0xc: {  	s21 =	sadd.s32 $0x1000, s7;
	[dreg:$0x9] =	wrdreg s20  }
0xd: {  	s28 =	simm.s32 $0x1;
	s22 =	sadd.s32 $0x1800, s7;
	[dreg:$0xa] =	wrdreg s21  }
0xe: {  	s29 =	simm.s32 $0x50;
	s23 =	sadd.s32 $0x2000, s7;
	[dreg:$0xb] =	wrdreg s22  }
0xf: {  	s30 =	simm.s32 $0x6F80;
	s24 =	sadd.s32 $0x2800, s7;
	[dreg:$0xc] =	wrdreg s23  }
0x10: {  	s10 =	smul.u32 $0x13800, s11;
	s25 =	sadd.s32 $0x3000, s7;
	[dreg:$0xd] =	wrdreg s24  }
0x11: {  	s0 =	smul.u32 $0x138800, s0;
	s26 =	sadd.s32 $0x3800, s7;
	[dreg:$0xe] =	wrdreg s25  }
0x12: {  	s31 =	simm.s32 $0x9780;
	s9 =	sadd.s32 $0x5800, s7;
	[dreg:$0xf] =	wrdreg s26  }
0x13: {  	s17 =	sadd.s32 s10, s0;
	s10 =	sadd.s32 $0x6000, s7;
	[dreg:$0x13] =	wrdreg s9  }
0x14: {  	p0 =	sne.s32 s11, $0xF;
	s12 =	sadd.s32 $0x6800, s7;
	[dreg:$0x14] =	wrdreg s10  }
0x15: {  	s0 =	sshrl.u32 s0, $0x3;
	s13 =	sadd.s32 $0x7000, s7;
	[dreg:$0x15] =	wrdreg s12  }
0x16: {  	s8 =	sadd.s32 $0x138000, s3;
	s14 =	sadd.s32 $0x7800, s7;
	[dreg:$0x16] =	wrdreg s13  }
0x17: {  	s18 =	sshrl.u32 s17, $0x3;
	s15 =	sadd.s32 $0x8000, s7;
	[dreg:$0x17] =	wrdreg s14  }
0x18: {  	s6 =	sshrl.u32 s6, $0x3;
	s16 =	sadd.s32 $0x8800, s7;
	[dreg:$0x18] =	wrdreg s15  }
0x19: {  	s17 =	sadd.s32 $0x9000, s7;
	s19 =	sadd.s32 $0xA000, s7;
	[dreg:$0x19] =	wrdreg s16  }
0x1a: {  	s6 =	sadd.s32 s6, s5;
	s5 =	sadd.s32 $0x1BC00, s5;
	[dreg:$0x1a] =	wrdreg s17  }
0x1b: {  	[dreg:$0x1c] =	wrdreg s19;
	s20 =	sadd.s32 $0xA800, s7;
	s21 =	sadd.s32 $0xB000, s7  }
0x1c: {  	s22 =	sadd.s32 $0xB800, s7;
	s23 =	sadd.s32 $0xC000, s7;
	[dreg:$0x1d] =	wrdreg s20  }
0x1d: {  	s24 =	sadd.s32 $0xC800, s7;
	s25 =	sadd.s32 $0xD000, s7;
	[dreg:$0x1e] =	wrdreg s21  }
0x1e: {  	s26 =	sadd.s32 $0xD800, s7;
	s13 =	sadd.s32 $0xE000, s7;
	[dreg:$0x1f] =	wrdreg s22  }
0x1f: {  	s14 =	sadd.s32 $0xE800, s7;
	s15 =	sadd.s32 $0xF000, s7;
	[smem:$0x7FA] =	sst s23  }
0x20: {  	s16 =	sadd.s32 $0xF800, s7;
	s17 =	sadd.s32 $0x10000, s7;
	[smem:$0x7FB] =	sst s24  }
0x21: {  	s19 =	sadd.s32 $0x11000, s7;
	s6 =	sadd.s32 $0x11E00, s6;
	[smem:$0x7FC] =	sst s25  }
0x22: {  	s0 =	sadd.s32 s5, s0;
	s2 =	sadd.s32 s5, s18;
	[smem:$0x7FD] =	sst s26  }
0x23: {  	s5 =	sadd.s32 $0x4800, s7;
	s18 =	sadd.s32 $0x9800, s7;
	[dreg:$0x4] =	wrdreg s6  }
0x24: {  	s20 =	sadd.s32 $0x11800, s7;
	s21 =	sadd.s32 $0x12000, s7;
	[dreg:$0x6] =	wrdreg s2  }
0x25: {  	s22 =	sadd.s32 $0x12800, s7;
	s23 =	sadd.s32 $0x13000, s7;
	[dreg:$0x11] =	wrdreg s5  }
0x26: {  	s24 =	simm.s32 $0x800;
	s0 =	sadd.s32 $0x27000, s0;
	[dreg:$0x1b] =	wrdreg s18  }
0x27: {  	s25 =	simm.s32 $0x5;
	s2 =	sadd.s32 $0x4000, s7;
	[dreg:$0x7] =	wrdreg s0  }
0x28: {  	s26 =	simm.s32 $0x2F80;
	s6 =	sadd.s32 $0x5000, s7;
	[dreg:$0x10] =	wrdreg s2  }
0x29: {  	s18 =	sadd.s32 $0x10800, s7;
	s5 =	simm.s32 $0x4;
	[dreg:$0x12] =	wrdreg s6  }
0x2a: {  	v0 =	vimm.f32 $0.0e+00;
	s2 =	simm.s32 $0x3;
	s0 =	simm.s32 $0x2;
	s6 =	simm.s32 $0x0  }
.LBB2_1:
0x2b: {  	s9 =	rddreg [dreg:$0x4];
	s10 =	simm.s32 $0x80;
	s11 =	simm.s32 $0x400  }
0x2c: {  	[tilespmem:s24], [sflag:$0x5] =	stream.strided.gather [hbm4b:s9+s10], $0x2780, s11, s10, $0x38;
	[tilespmem:$0x1F800] =	vst v63  }
0x2d: {  	_ =	swait.ge [sflag:s25], $0x2780  }
0x2e: {  	[sflag:s25] =	ssyncset.done $0x0  }
0x2f: {  	s12 =	rddreg [dreg:$0x5];
	[sflag:s25] =	ssyncadd.s32 $0xFFFFD880  }
0x30: {  	[tilespmem:s26], [sflag:$0x5] =	stream.linear.gather [hbm4b:s12+s4], $0x3E80, $0x38;
	[tilespmem:$0x1F800] =	vst v63  }
0x31: {  	s10 =	sand.u32 $0x1E00, s4;
	s11 =	sand.u32 $0x70, s4;
	_ =	swait.ge [sflag:s25], $0x3E80  }
0x32: {  	s9 =	simm.s32 $0x40;
	s12 =	sshrl.u32 s10, $0x2;
	[sflag:s25] =	ssyncset.done $0x0  }
0x33: {  	s10 =	simm.s32 $0x0;
	s11 =	sor.u32 s11, s12;
	[sflag:s25] =	ssyncadd.s32 $0xFFFFC180  }
.LBB2_2:
0x34: {  	p1 =	sne.s32 s9, $0x1FC0  }
0x35: {  	[tilespmem:s11+$0x0] =	vst v0;
	s10 =	sadd.s32 $0x10, s10;
	s11 =	smov.u32 s9;
	s9 =	sadd.s32 $0x40, s9  }
.Ltmp0:
0x36: {  	(pc) =	sbr.rel @p1 .LBB2_2-.Ltmp0, $4  }
0x37: {  	_ = 	snop  }
0x38: {  	s11 =	sand.u32 $0x1E00, s11  }
0x39: {  	s12 =	sand.u32 $0x70, s10;
	s11 =	sshrl.u32 s11, $0x2  }
0x3a: {  	s11 =	sor.u32 s12, s11  }
0x3b: {  	[tilespmem:s11+$0x0] =	vst v0;
	s9 =	rddreg [dreg:$0x9]  }
0x3c: {  	[spmem:s7] =	stream.linear.scatter [tilespmem:s4], [sflag:$0x1], $0x800, $0x38;
	[tilespmem:$0x1F800] =	vst v63  }
0x3d: {  	s11 =	rddreg [dreg:$0xa]  }
0x3e: {  	[spmem:s9] =	stream.linear.scatter [tilespmem:s4], [sflag:$0x1], $0x800, $0x38;
	[tilespmem:$0x1F800] =	vst v63  }
0x3f: {  	s12 =	rddreg [dreg:$0xb]  }
0x40: {  	[spmem:s11] =	stream.linear.scatter [tilespmem:s4], [sflag:$0x1], $0x800, $0x38;
	[tilespmem:$0x1F800] =	vst v63  }
0x41: {  	s10 =	rddreg [dreg:$0xc]  }
0x42: {  	[spmem:s12] =	stream.linear.scatter [tilespmem:s4], [sflag:$0x1], $0x800, $0x38;
	[tilespmem:$0x1F800] =	vst v63  }
0x43: {  	s11 =	rddreg [dreg:$0xd]  }
0x44: {  	[spmem:s10] =	stream.linear.scatter [tilespmem:s4], [sflag:$0x1], $0x800, $0x38;
	[tilespmem:$0x1F800] =	vst v63  }
0x45: {  	s12 =	rddreg [dreg:$0xe]  }
0x46: {  	[spmem:s11] =	stream.linear.scatter [tilespmem:s4], [sflag:$0x1], $0x800, $0x38;
	[tilespmem:$0x1F800] =	vst v63  }
0x47: {  	s10 =	rddreg [dreg:$0xf]  }
0x48: {  	[spmem:s12] =	stream.linear.scatter [tilespmem:s4], [sflag:$0x1], $0x800, $0x38;
	[tilespmem:$0x1F800] =	vst v63  }
0x49: {  	s11 =	rddreg [dreg:$0x10]  }
0x4a: {  	[spmem:s10] =	stream.linear.scatter [tilespmem:s4], [sflag:$0x1], $0x800, $0x38;
	[tilespmem:$0x1F800] =	vst v63  }
0x4b: {  	s12 =	rddreg [dreg:$0x11]  }
0x4c: {  	[spmem:s11] =	stream.linear.scatter [tilespmem:s4], [sflag:$0x1], $0x800, $0x38;
	[tilespmem:$0x1F800] =	vst v63  }
0x4d: {  	s10 =	rddreg [dreg:$0x12]  }
0x4e: {  	[spmem:s12] =	stream.linear.scatter [tilespmem:s4], [sflag:$0x1], $0x800, $0x38;
	[tilespmem:$0x1F800] =	vst v63  }
0x4f: {  	s11 =	rddreg [dreg:$0x13]  }
0x50: {  	[spmem:s10] =	stream.linear.scatter [tilespmem:s4], [sflag:$0x1], $0x800, $0x38;
	[tilespmem:$0x1F800] =	vst v63  }
0x51: {  	s12 =	rddreg [dreg:$0x14]  }
0x52: {  	[spmem:s11] =	stream.linear.scatter [tilespmem:s4], [sflag:$0x1], $0x800, $0x38;
	[tilespmem:$0x1F800] =	vst v63  }
0x53: {  	s10 =	rddreg [dreg:$0x15]  }
0x54: {  	[spmem:s12] =	stream.linear.scatter [tilespmem:s4], [sflag:$0x1], $0x800, $0x38;
	[tilespmem:$0x1F800] =	vst v63  }
0x55: {  	s11 =	rddreg [dreg:$0x16]  }
0x56: {  	[spmem:s10] =	stream.linear.scatter [tilespmem:s4], [sflag:$0x1], $0x800, $0x38;
	[tilespmem:$0x1F800] =	vst v63  }
0x57: {  	s12 =	rddreg [dreg:$0x17]  }
0x58: {  	[spmem:s11] =	stream.linear.scatter [tilespmem:s4], [sflag:$0x1], $0x800, $0x38;
	[tilespmem:$0x1F800] =	vst v63  }
0x59: {  	s10 =	rddreg [dreg:$0x18]  }
0x5a: {  	[spmem:s12] =	stream.linear.scatter [tilespmem:s4], [sflag:$0x1], $0x800, $0x38;
	[tilespmem:$0x1F800] =	vst v63  }
0x5b: {  	s11 =	rddreg [dreg:$0x19]  }
0x5c: {  	[spmem:s10] =	stream.linear.scatter [tilespmem:s4], [sflag:$0x1], $0x800, $0x38;
	[tilespmem:$0x1F800] =	vst v63  }
0x5d: {  	s12 =	rddreg [dreg:$0x1a]  }
0x5e: {  	[spmem:s11] =	stream.linear.scatter [tilespmem:s4], [sflag:$0x1], $0x800, $0x38;
	[tilespmem:$0x1F800] =	vst v63  }
0x5f: {  	s10 =	rddreg [dreg:$0x1b]  }
0x60: {  	[spmem:s12] =	stream.linear.scatter [tilespmem:s4], [sflag:$0x1], $0x800, $0x38;
	[tilespmem:$0x1F800] =	vst v63  }
0x61: {  	s11 =	rddreg [dreg:$0x1c]  }
0x62: {  	[spmem:s10] =	stream.linear.scatter [tilespmem:s4], [sflag:$0x1], $0x800, $0x38;
	[tilespmem:$0x1F800] =	vst v63  }
0x63: {  	s12 =	rddreg [dreg:$0x1d]  }
0x64: {  	[spmem:s11] =	stream.linear.scatter [tilespmem:s4], [sflag:$0x1], $0x800, $0x38;
	[tilespmem:$0x1F800] =	vst v63  }
0x65: {  	s10 =	rddreg [dreg:$0x1e]  }
0x66: {  	[spmem:s12] =	stream.linear.scatter [tilespmem:s4], [sflag:$0x1], $0x800, $0x38;
	[tilespmem:$0x1F800] =	vst v63  }
0x67: {  	s11 =	rddreg [dreg:$0x1f]  }
0x68: {  	[spmem:s10] =	stream.linear.scatter [tilespmem:s4], [sflag:$0x1], $0x800, $0x38;
	[tilespmem:$0x1F800] =	vst v63  }
0x69: {  	s12 =	sld [smem:$0x7FA]  }
0x6a: {  	[spmem:s11] =	stream.linear.scatter [tilespmem:s4], [sflag:$0x1], $0x800, $0x38;
	[tilespmem:$0x1F800] =	vst v63  }
0x6b: {  	s10 =	sld [smem:$0x7FB]  }
0x6c: {  	[spmem:s12] =	stream.linear.scatter [tilespmem:s4], [sflag:$0x1], $0x800, $0x38;
	[tilespmem:$0x1F800] =	vst v63  }
0x6d: {  	s11 =	sld [smem:$0x7FC]  }
0x6e: {  	[spmem:s10] =	stream.linear.scatter [tilespmem:s4], [sflag:$0x1], $0x800, $0x38;
	[tilespmem:$0x1F800] =	vst v63  }
0x6f: {  	s12 =	sld [smem:$0x7FD]  }
0x70: {  	[spmem:s11] =	stream.linear.scatter [tilespmem:s4], [sflag:$0x1], $0x800, $0x38;
	[tilespmem:$0x1F800] =	vst v63  }
0x71: {  	_ = 	snop  }
0x72: {  	[spmem:s12] =	stream.linear.scatter [tilespmem:s4], [sflag:$0x1], $0x800, $0x38;
	[tilespmem:$0x1F800] =	vst v63  }
0x73: {  	_ = 	snop  }
0x74: {  	[spmem:s13] =	stream.linear.scatter [tilespmem:s4], [sflag:$0x1], $0x800, $0x38;
	[tilespmem:$0x1F800] =	vst v63  }
0x75: {  	_ = 	snop  }
0x76: {  	[spmem:s14] =	stream.linear.scatter [tilespmem:s4], [sflag:$0x1], $0x800, $0x38;
	[tilespmem:$0x1F800] =	vst v63  }
0x77: {  	_ = 	snop  }
0x78: {  	[spmem:s15] =	stream.linear.scatter [tilespmem:s4], [sflag:$0x1], $0x800, $0x38;
	[tilespmem:$0x1F800] =	vst v63  }
0x79: {  	_ = 	snop  }
0x7a: {  	[spmem:s16] =	stream.linear.scatter [tilespmem:s4], [sflag:$0x1], $0x800, $0x38;
	[tilespmem:$0x1F800] =	vst v63  }
0x7b: {  	_ = 	snop  }
0x7c: {  	[spmem:s17] =	stream.linear.scatter [tilespmem:s4], [sflag:$0x1], $0x800, $0x38;
	[tilespmem:$0x1F800] =	vst v63  }
0x7d: {  	_ = 	snop  }
0x7e: {  	[spmem:s18] =	stream.linear.scatter [tilespmem:s4], [sflag:$0x1], $0x800, $0x38;
	[tilespmem:$0x1F800] =	vst v63  }
0x7f: {  	_ = 	snop  }
0x80: {  	[spmem:s19] =	stream.linear.scatter [tilespmem:s4], [sflag:$0x1], $0x800, $0x38;
	[tilespmem:$0x1F800] =	vst v63  }
0x81: {  	_ = 	snop  }
0x82: {  	[spmem:s20] =	stream.linear.scatter [tilespmem:s4], [sflag:$0x1], $0x800, $0x38;
	[tilespmem:$0x1F800] =	vst v63  }
0x83: {  	_ = 	snop  }
0x84: {  	[spmem:s21] =	stream.linear.scatter [tilespmem:s4], [sflag:$0x1], $0x800, $0x38;
	[tilespmem:$0x1F800] =	vst v63  }
0x85: {  	_ = 	snop  }
0x86: {  	[spmem:s22] =	stream.linear.scatter [tilespmem:s4], [sflag:$0x1], $0x800, $0x38;
	[tilespmem:$0x1F800] =	vst v63  }
0x87: {  	_ = 	snop  }
0x88: {  	[spmem:s23] =	stream.linear.scatter [tilespmem:s4], [sflag:$0x1], $0x800, $0x38;
	[tilespmem:$0x1F800] =	vst v63  }
0x89: {  	s9 =	simm.s32 @!p0 $0x0  }
0x8a: {  	[spmem:s8] =	stream.linear.scatter @!p0 [tilespmem:s9], [sflag:$0x5], $0x800, $0x38;
	[tilespmem:$0x1F800] =	vst v63  }
0x8b: {  	s9 =	simm.s32 @!p0 $0x5  }
0x8c: {  	_ =	swait.ge @!p0 [sflag:s9], $0x800  }
0x8d: {  	[sflag:s9] =	ssyncset.done @!p0 $0x0  }
0x8e: {  	[sflag:s9] =	ssyncadd.s32 @!p0 $0xFFFFF800  }
0x8f: {  	_ =	swait.ge [sflag:s28], $0x800  }
0x90: {  	s9 =	simm.s32 $0x26;
	[sflag:s28] =	ssyncset.done $0x0  }
.LBB2_4:
0x91: {  	p1 =	sne.s32 s9, $0x1;
	s9 =	sadd.s32 $0xFFFFFFFF, s9;
	[sflag:s28] =	ssyncadd.s32 $0xFFFFF800  }
.Ltmp1:
0x92: {  	(pc) =	sbr.rel @p1 .LBB2_4-.Ltmp1, $3  }
0x93: {  	_ =	sdelay $0x1  }
0x94: {  	_ =	swait.ge [sflag:s28], $0x800  }
0x95: {  	[sflag:s28] =	ssyncset.done $0x0  }
0x96: {  	[sflag:s28] =	ssyncadd.s32 $0xFFFFF800  }
0x97: {  	[bflag:$0x0] =	sbarrier.arrive $0xFFFF  }
0x98: {  	[tilespmem:s30], [sflag:$0x1] =	stream.indirect.gather [hbm4b:s1+s29], $0x80, s24, s29, $0xb8;
	[tilespmem:$0x1F800] =	vst v63  }
0x99: {  	s9 =	simm.s32 $0x850  }
0x9a: {  	[tilespmem:s31], [sflag:$0x2] =	stream.indirect.gather [hbm4b:s1+s29], $0x80, s9, s29, $0xb8;
	[tilespmem:$0x1F800] =	vst v63  }
0x9b: {  	_ =	swait.ge [sflag:s28], $0x2800  }
0x9c: {  	[sflag:s28] =	ssyncset.done $0x0  }
0x9d: {  	[sflag:s28] =	ssyncadd.s32 $0xFFFFD800  }
0x9e: {  	[spmem:s3] =	stream.indirect.scatter.add.f32 [tilespmem:s30], [sflag:$0x3], $0x80, s26, s29, $0xb8;
	[tilespmem:$0x1F800] =	vst v63  }
0x9f: {  	_ =	swait.ge [sflag:s2], $0x2800  }
0xa0: {  	[sflag:s2] =	ssyncset.done $0x0  }
0xa1: {  	s11 =	simm.s32 $0x8A0;
	[sflag:s2] =	ssyncadd.s32 $0xFFFFD800  }
0xa2: {  	[tilespmem:s30], [sflag:$0x1] =	stream.indirect.gather [hbm4b:s1+s29], $0x80, s11, s29, $0xb8;
	[tilespmem:$0x1F800] =	vst v63  }
0xa3: {  	_ =	swait.ge [sflag:s0], $0x2800  }
0xa4: {  	[sflag:s0] =	ssyncset.done $0x0  }
0xa5: {  	s12 =	simm.s32 $0x3000;
	[sflag:s0] =	ssyncadd.s32 $0xFFFFD800  }
0xa6: {  	[spmem:s3] =	stream.indirect.scatter.add.f32 [tilespmem:s31], [sflag:$0x4], $0x80, s12, s29, $0xb8;
	[tilespmem:$0x1F800] =	vst v63  }
0xa7: {  	_ =	swait.ge [sflag:s5], $0x2800  }
0xa8: {  	[sflag:s5] =	ssyncset.done $0x0  }
0xa9: {  	s10 =	simm.s32 $0x8F0;
	[sflag:s5] =	ssyncadd.s32 $0xFFFFD800  }
0xaa: {  	[tilespmem:s31], [sflag:$0x2] =	stream.indirect.gather [hbm4b:s1+s29], $0x80, s10, s29, $0xb8;
	[tilespmem:$0x1F800] =	vst v63  }
0xab: {  	_ =	swait.ge [sflag:s28], $0x2800  }
0xac: {  	[sflag:s28] =	ssyncset.done $0x0  }
0xad: {  	s11 =	simm.s32 $0x3080;
	[sflag:s28] =	ssyncadd.s32 $0xFFFFD800  }
0xae: {  	[spmem:s3] =	stream.indirect.scatter.add.f32 [tilespmem:s30], [sflag:$0x3], $0x80, s11, s29, $0xb8;
	[tilespmem:$0x1F800] =	vst v63  }
0xaf: {  	_ =	swait.ge [sflag:s2], $0x2800  }
0xb0: {  	[sflag:s2] =	ssyncset.done $0x0  }
0xb1: {  	s12 =	simm.s32 $0x940;
	[sflag:s2] =	ssyncadd.s32 $0xFFFFD800  }
0xb2: {  	[tilespmem:s30], [sflag:$0x1] =	stream.indirect.gather [hbm4b:s1+s29], $0x80, s12, s29, $0xb8;
	[tilespmem:$0x1F800] =	vst v63  }
0xb3: {  	_ =	swait.ge [sflag:s0], $0x2800  }
0xb4: {  	s9 =	simm.s32 $0xFFFF6A00;
	[sflag:s0] =	ssyncset.done $0x0  }
0xb5: {  	s10 =	simm.s32 $0x3180;
	s11 =	simm.s32 $0x3100;
	[sflag:s0] =	ssyncadd.s32 $0xFFFFD800  }
.LBB2_6:
0xb6: {  	[spmem:s3] =	stream.indirect.scatter.add.f32 [tilespmem:s31], [sflag:$0x4], $0x80, s11, s29, $0xb8;
	[tilespmem:$0x1F800] =	vst v63  }
0xb7: {  	s11 =	smov.u32 s9  }
0xb8: {  	p1 =	sne.s32 s9, $0xFFFFFD80;
	s9 =	sadd.s32 $0x280, s9;
	_ =	swait.ge [sflag:s5], $0x2800  }
0xb9: {  	s11 =	sshra.s32 s11, $0x2;
	[sflag:s5] =	ssyncset.done $0x0  }
0xba: {  	s12 =	sadd.s32 $0x2F10, s11;
	[sflag:s5] =	ssyncadd.s32 $0xFFFFD800  }
0xbb: {  	[tilespmem:s31], [sflag:$0x2] =	stream.indirect.gather [hbm4b:s1+s29], $0x80, s12, s29, $0xb8;
	[tilespmem:$0x1F800] =	vst v63  }
0xbc: {  	_ =	swait.ge [sflag:s28], $0x2800  }
0xbd: {  	[sflag:s28] =	ssyncset.done $0x0  }
0xbe: {  	[sflag:s28] =	ssyncadd.s32 $0xFFFFD800  }
0xbf: {  	[spmem:s3] =	stream.indirect.scatter.add.f32 [tilespmem:s30], [sflag:$0x3], $0x80, s10, s29, $0xb8;
	[tilespmem:$0x1F800] =	vst v63  }
0xc0: {  	_ =	swait.ge [sflag:s2], $0x2800  }
0xc1: {  	[sflag:s2] =	ssyncset.done $0x0  }
.Ltmp2:
0xc2: {  	s11 =	sadd.s32 $0x2F60, s11;
	[sflag:s2] =	ssyncadd.s32 $0xFFFFD800;
	(pc) =	sbr.rel @p1 .LBB2_6-.Ltmp2, $4  }
0xc3: {  	[tilespmem:s30], [sflag:$0x1] =	stream.indirect.gather [hbm4b:s1+s29], $0x80, s11, s29, $0xb8;
	[tilespmem:$0x1F800] =	vst v63  }
0xc4: {  	_ =	swait.ge [sflag:s0], $0x2800  }
0xc5: {  	[sflag:s0] =	ssyncset.done $0x0  }
0xc6: {  	s11 =	sadd.s32 $0x80, s10;
	s10 =	sadd.s32 $0x100, s10;
	[sflag:s0] =	ssyncadd.s32 $0xFFFFD800  }
0xc7: {  	[spmem:s3] =	stream.indirect.scatter.add.f32 [tilespmem:s31], [sflag:$0x4], $0x80, s11, s29, $0xb8;
	[tilespmem:$0x1F800] =	vst v63  }
0xc8: {  	_ =	swait.ge [sflag:s28], $0x2800  }
0xc9: {  	[sflag:s28] =	ssyncset.done $0x0  }
0xca: {  	s9 =	simm.s32 $0x6D80;
	[sflag:s28] =	ssyncadd.s32 $0xFFFFD800  }
0xcb: {  	[spmem:s3] =	stream.indirect.scatter.add.f32 [tilespmem:s30], [sflag:$0x3], $0x80, s9, s29, $0xb8;
	[tilespmem:$0x1F800] =	vst v63  }
0xcc: {  	_ =	swait.ge [sflag:s5], $0x2800  }
0xcd: {  	[sflag:s5] =	ssyncset.done $0x0  }
0xce: {  	[sflag:s5] =	ssyncadd.s32 $0xFFFFD800  }
0xcf: {  	_ =	swait.ge [sflag:s2], $0x2800  }
0xd0: {  	[sflag:s2] =	ssyncset.done $0x0  }
0xd1: {  	s11 =	stileid.u32;
	[sflag:s2] =	ssyncadd.s32 $0xFFFFD800  }
0xd2: {  	s9 =	sshll.u32 s11, $0x6;
	[bflag:$0x0] =	sbarrier.arrive $0xFFFF  }
0xd3: {  	s10 =	sshrl.u32 s7, $0x3;
	s9 =	sor.u32 $0x1C05, s9;
	s12 =	rddreg [dreg:$0x6]  }
0xd4: {  	[hbm:s12], [sflag:s9] =	dma.local [spmem:s10], $0x2700  }
0xd5: {  	_ =	swait.ge [sflag:s25], $0x2700  }
0xd6: {  	[sflag:s25] =	ssyncset.done $0x0  }
0xd7: {  	s10 =	sshrl.u32 @!p0 s8, $0x3;
	s11 =	rddreg [dreg:$0x7];
	[sflag:s25] =	ssyncadd.s32 $0xFFFFD900  }
0xd8: {  	[hbm:s11], [sflag:s9] =	dma.local @!p0 [spmem:s10], $0x100  }
0xd9: {  	s9 =	simm.s32 @!p0 $0x5  }
0xda: {  	_ =	swait.ge @!p0 [sflag:s9], $0x100  }
0xdb: {  	s6 =	sadd.s32 $0x1, s6;
	s12 =	rddreg [dreg:$0x8]  }
0xdc: {  	p1 =	sne.s32 s6, s12  }
.Ltmp3:
0xdd: {  	_ = 	snop;
	(pc) =	sbr.rel @p1 .LBB2_1-.Ltmp3, $3  }
0xde: {  	_ =	sdelay $0x1  }
0xdf: {  	[sflag:s9] =	ssyncset.done @!p0 $0x0  }
0xe0: {  	[sflag:s9] =	ssyncadd.s32 @!p0 $0xFFFFFF00  }
0xe1: {  	_ =	sfence.sel $0x180000  }
0xe2: {  	[bflag:$0x0] =	sbarrier.arrive $0xFFFF  }
0xe3: {  	_ =	strace $0x9000004A  }
0xe4: {  	s0 =	stileid.u32;
	[bflag:$0x2] =	sbarrier.arrive $0xFFFF  }
0xe5: {  	p0 =	sne.s32 s0, $0x0;
	s0 =	rddreg [dreg:$0x3]  }
0xe6: {  	s0 =	sadd.s32 @!p0 $0x100000, s0  }
0xe7: {  	[sflag:s0] =	ssyncadd.tile.s32 @!p0 $0x1;
	_ =	shalt  }
.Lfunc_end2:
_tile_overlayer_lowered:
.L_overlay_start_2:
0xe8: {  	(tag) =	ssettag $0x2  }
0xe9: {  	s0 =	rddreg [dreg:$0x0];
	s2 =	stileid.u32  }
0xea: {  	s1 =	rddreg [dreg:$0x1];
	p0 =	sne.s32 s2, $0x0  }
0xeb: {  	s3 =	rddreg [dreg:$0x2];
	[bflag:$0x3] =	sbarrier.arrive $0xFFFF;
	s2 =	simm.s32 @!p0 $0x1C05  }
0xec: {  	[timem:s3], [sflag:s2] =	dma.local @!p0 [hbm:s0], s1  }
0xed: {  	s0 =	simm.s32 @!p0 $0x5  }
0xee: {  	_ =	swait.ge @!p0 [sflag:s0], s1  }
0xef: {  	s1 =	ssub.s32 @!p0 $0x0, s1;
	[sflag:s0] =	ssyncset.done @!p0 $0x0  }
0xf0: {  	[sflag:s0] =	ssyncadd.s32 @!p0 s1  }
0xf1: {  	[bflag:$0x3] =	sbarrier.arrive $0xFFFF  }
0xf2: {  	_ =	shalt  }

// kernel: kernel.14.cloned.1.call-start
scs
__scs_entry_jumppad:
0x0: {  	(pc) =	sbr.rel $0x88, $3  }
0x1: {  	(tag) =	ssettag $0x0;
	lr =	simm.s32 $0x1  }
0x2: {  	[smem:$0x3F9B] =	sst lr;
	_ =	strace $0xD0000000  }
0x3: {  	_ = 	snop  }
0x4: {  	_ = 	snop  }
0x5: {  	_ = 	snop  }
0x6: {  	_ = 	snop  }
0x7: {  	_ = 	snop  }
__scs_overlays_trampoline_lowered:
0x8: {  	[smem:$0x3FAA] =	sst s0  }
0x9: {  	[smem:$0x3FAB] =	sst s1  }
0xa: {  	[smem:$0x3FAC] =	sst s2  }
0xb: {  	[smem:$0x3FAD] =	sst s3  }
0xc: {  	[smem:$0x3FAE] =	sst s4  }
0xd: {  	[smem:$0x3FAF] =	sst s5  }
0xe: {  	[smem:$0x3FB0] =	sst s6  }
0xf: {  	[smem:$0x3FB1] =	sst s7  }
0x10: {  	[smem:$0x3FB2] =	sst s8  }
0x11: {  	[smem:$0x3FB3] =	sst s9;
	s0 =	simm.s32 @!p0 $0x0  }
0x12: {  	s1 =	sld [smem:$0x3F99];
	s0 =	simm.s32 @p0 $0x1  }
0x13: {  	[smem:$0x3FB4] =	sst s0;
	s0 =	simm.s32 @!p1 $0x0  }
0x14: {  	s2 =	sld [smem:$0x3F98];
	s0 =	simm.s32 @p1 $0x1  }
0x15: {  	[smem:$0x3FB5] =	sst s0;
	s0 =	simm.s32 @!p2 $0x0  }
0x16: {  	s3 =	sld [smem:$0x3FDB];
	s0 =	simm.s32 @p2 $0x1  }
0x17: {  	s4 =	simm.s32 $0x1BF5;
	[smem:$0x3FB7] =	sst s0  }
0x18: {  	s0 =	sld [smem:$0x3F9A];
	_ =	swait.ge [sflag:s4], $0x0  }
0x19: {  	s7 =	sld [smem:$0x3F9B]  }
0x1a: {  	s8 =	sadd.s32 $0xFFFFE003, lr  }
0x1b: {  	s9 =	sadd.s32 $0xFFFFFEF7, lr;
	s5 =	simm.s32 $0xFFFFFFFF;
	p2 =	slt.u32 s8, $0xFFFFF086  }
0x1c: {  	p1 =	slt.u32 s9, $0xF7A;
	s5 =	simm.s32 @!p2 $0x0  }
0x1d: {  	s5 =	simm.s32 @p1 $0x1;
	p0 =	seq.s32 s7, s2  }
0x1e: {  	s7 =	smul.u32 @!p0 $0xF7A, s2;
	p2 =	seq.s32 @!p0 s5, $0x0  }
0x1f: {  	s9 =	smul.u32 $0xF7A, s1;
	s8 =	simm.s32 @!p0 $0x1BF5;
	p2 =	por !p2, p0  }
0x20: {  	[sflag:s8] =	ssyncset.s32 @!p0 $0xFFFFF086;
	s6 =	sadd.s32 @!p0 s3, s7;
	s7 =	simm.s32 @!p0 $0x108  }
0x21: {  	s3 =	sadd.s32 s3, s9;
	s6 =	sadd.s32 @!p0 $0x88, s6;
	s7 =	simm.s32 @p2 $0x1082  }
0x22: {  	[simem:s7], [sflag:s8] =	dma.local @!p0 [hbm:s6], $0xF7A  }
0x23: {  	s9 =	sor.u32 $0xD0000000, s2;
	s6 =	simm.s32 $0x108;
	_ =	swait.ge @!p0 [sflag:s8], $0x0  }
0x24: {  	s3 =	sadd.s32 $0x88, s3;
	s6 =	simm.s32 @!p1 $0x1082;
	[sflag:s4] =	ssyncset.s32 $0xFFFFF086  }
0x25: {  	[simem:s6], [sflag:s4] =	dma.local [hbm:s3], $0xF7A  }
0x26: {  	[smem:$0x3F9B] =	sst s1;
	(tag) =	ssettag s2;
	_ =	strace s9  }
0x27: {  	s1 =	sld [smem:$0x3FAB]  }
0x28: {  	s2 =	sld [smem:$0x3FAC]  }
0x29: {  	s4 =	sld [smem:$0x3FAE]  }
0x2a: {  	p0 =	seq.s32 s5, $0x0;
	s5 =	sld [smem:$0x3FAF]  }
0x2b: {  	s6 =	sld [smem:$0x3FB0]  }
0x2c: {  	s7 =	sld [smem:$0x3FB1]  }
0x2d: {  	s3 =	simm.s32 $0x108;
	s8 =	sld [smem:$0x3FB2]  }
0x2e: {  	s3 =	simm.s32 @!p0 $0x1082;
	s9 =	sld [smem:$0x3FB3]  }
0x2f: {  	lr =	sadd.s32 s0, s3;
	s0 =	sld [smem:$0x3FAA]  }
0x30: {  	s3 =	sld [smem:$0x3FAD]  }
0x31: {  	[smem:$0x3FB6] =	sst s10  }
0x32: {  	s10 =	sld [smem:$0x3FB4];
	_ =	sdelay $0x3  }
0x33: {  	p0 =	seq.s32 s10, $0x1;
	s10 =	sld [smem:$0x3FB6];
	_ =	sdelay $0x3  }
0x34: {  	[smem:$0x3FB6] =	sst s10  }
0x35: {  	s10 =	sld [smem:$0x3FB5];
	_ =	sdelay $0x3  }
0x36: {  	p1 =	seq.s32 s10, $0x1;
	s10 =	sld [smem:$0x3FB6];
	_ =	sdelay $0x3  }
0x37: {  	[smem:$0x3FB6] =	sst s10  }
0x38: {  	s10 =	sld [smem:$0x3FB7]  }
0x39: {  	_ = 	snop;
	(pc) =	sbr.ind lr, $3  }
0x3a: {  	_ = 	snop  }
0x3b: {  	_ = 	snop  }
0x3c: {  	p2 =	seq.s32 s10, $0x1;
	s10 =	sld [smem:$0x3FB6]  }
0x3d: {  	_ =	shalt  }
0x3e: {  	_ =	shalt  }
0x3f: {  	_ =	shalt  }
0x40: {  	_ =	shalt  }
0x41: {  	_ =	shalt  }
0x42: {  	_ =	shalt  }
0x43: {  	_ =	shalt  }
0x44: {  	_ =	shalt  }
0x45: {  	_ =	shalt  }
0x46: {  	_ =	shalt  }
0x47: {  	_ =	shalt  }
0x48: {  	_ =	shalt  }
0x49: {  	_ =	shalt  }
0x4a: {  	_ =	shalt  }
0x4b: {  	_ =	shalt  }
0x4c: {  	_ =	shalt  }
0x4d: {  	_ =	shalt  }
0x4e: {  	_ =	shalt  }
0x4f: {  	_ =	shalt  }
0x50: {  	_ =	shalt  }
0x51: {  	_ =	shalt  }
0x52: {  	_ =	shalt  }
0x53: {  	_ =	shalt  }
0x54: {  	_ =	shalt  }
0x55: {  	_ =	shalt  }
0x56: {  	_ =	shalt  }
0x57: {  	_ =	shalt  }
0x58: {  	_ =	shalt  }
0x59: {  	_ =	shalt  }
0x5a: {  	_ =	shalt  }
0x5b: {  	_ =	shalt  }
0x5c: {  	_ =	shalt  }
0x5d: {  	_ =	shalt  }
0x5e: {  	_ =	shalt  }
0x5f: {  	_ =	shalt  }
0x60: {  	_ =	shalt  }
0x61: {  	_ =	shalt  }
0x62: {  	_ =	shalt  }
0x63: {  	_ =	shalt  }
0x64: {  	_ =	shalt  }
0x65: {  	_ =	shalt  }
0x66: {  	_ =	shalt  }
0x67: {  	_ =	shalt  }
0x68: {  	_ =	shalt  }
0x69: {  	_ =	shalt  }
0x6a: {  	_ =	shalt  }
0x6b: {  	_ =	shalt  }
0x6c: {  	_ =	shalt  }
0x6d: {  	_ =	shalt  }
0x6e: {  	_ =	shalt  }
0x6f: {  	_ =	shalt  }
0x70: {  	_ =	shalt  }
0x71: {  	_ =	shalt  }
0x72: {  	_ =	shalt  }
0x73: {  	_ =	shalt  }
0x74: {  	_ =	shalt  }
0x75: {  	_ =	shalt  }
0x76: {  	_ =	shalt  }
0x77: {  	_ =	shalt  }
0x78: {  	_ =	shalt  }
0x79: {  	_ =	shalt  }
0x7a: {  	_ =	shalt  }
0x7b: {  	_ =	shalt  }
0x7c: {  	_ =	shalt  }
0x7d: {  	_ =	shalt  }
0x7e: {  	_ =	shalt  }
0x7f: {  	_ =	shalt  }
0x80: {  	_ =	shalt  }
0x81: {  	_ =	shalt  }
0x82: {  	_ =	shalt  }
0x83: {  	_ =	shalt  }
0x84: {  	_ =	shalt  }
0x85: {  	_ =	shalt  }
0x86: {  	_ =	shalt  }
0x87: {  	_ =	shalt  }
.Lfunc_end0:
.L_simem_size_0:
called_computation.2_lowered:
.L_overlay_start_0:
0x88: {  	s2 =	sld [smem:$0x3FD9]  }
0x89: {  	s3 =	sld [smem:$0x3FFE];
	_ =	sdelay $0x1  }
0x8a: {  	s1 =	srdreg.scid  }
0x8b: {  	s0 =	sand.u32 $0x1, s1  }
0x8c: {  	s17 =	sshll.u32 s0, $0xA;
	s2 =	sadd.s32 s3, s2  }
0x8d: {  	s2 =	sadd.s32 s2, s17  }
0x8e: {  	[smem:$0x3FC2] =	sst s2  }
0x8f: {  	_ = 	snop  }
0x90: {  	s2 =	sld [smem:$0x3FD0];
	(tm) =	ssettm $0x1  }
0x91: {  	s18 =	sld [smem:$0x3FFB];
	_ =	sdelay $0x3  }
0x92: {  	_ =	strace s18  }
0x93: {  	s3 =	sld [smem:$0x3FFC];
	_ =	sdelay $0x3  }
0x94: {  	_ =	strace s3  }
0x95: {  	s3 =	sld [smem:$0x3FFD];
	_ =	sdelay $0x3  }
0x96: {  	_ =	strace s3  }
0x97: {  	_ =	strace $0x8FFFFFFF  }
0x98: {  	s19 =	sld [smem:$0x3FDB];
	_ =	sdelay $0x1  }
0x99: {  	s4 =	simm.s32 $_scs_section_size  }
0x9a: {  	s5 =	simm.s32 $_size__tile_overlayer_lowered;
	s6 =	simm.s32 $_tile_overlayer_lowered  }
0x9b: {  	s22 =	simm.s32 $0x1BFF;
	s21 =	sshll.u32 s6, $0x1;
	s3 =	sadd.s32 s4, s19  }
0x9c: {  	s7 =	simm.s32 $0x0;
	s20 =	sshll.u32 s5, $0x1;
	s5 =	sadd.s32 s21, s3  }
0x9d: {  	[timem:s7], [sflag:s22] =	dma.local [hbm:s5], s20  }
0x9e: {  	_ =	swait.ge [sflag:s22], s20  }
0x9f: {  	s4 =	ssub.s32 $0x0, s20;
	[sflag:s22] =	ssyncset.done $0x0  }
0xa0: {  	[sflag:s22] =	ssyncadd.s32 s4;
	_ =	sdelay $0x1  }
0xa1: {  	s23 =	simm.s32 $0x1B8B  }
0xa2: {  	_ =	swait.ge [sflag:s23], $0x1  }
0xa3: {  	[sflag:s23] =	ssyncset.done $0x0  }
0xa4: {  	s25 =	simm.s32 $0x1B8E;
	s24 =	sld [smem:$0x3FFE];
	[sflag:s23] =	ssyncadd.s32 $0xFFFFFFFF  }
0xa5: {  	s26 =	simm.s32 $execute0_lowered;
	[smem:$0x3FD2] =	sst s25  }
0xa6: {  	s5 =	sshll.u32 s26, $0x1;
	_ =	strace $0x8000004C;
	[dreg:$0x1] =	wrdreg $0xFFFFFFFF  }
0xa7: {  	s28 =	simm.s32 $_size_execute0_lowered;
	s3 =	sadd.s32 s3, s5;
	[dreg:$0x0] =	wrdreg $0x0  }
0xa8: {  	s5 =	sshll.u32 s28, $0x1;
	[dreg:$0x2] =	wrdreg s3  }
0xa9: {  	[dreg:$0x3] =	wrdreg s5  }
0xaa: {  	[dreg:$0x4] =	wrdreg $0xC0  }
0xab: {  	_ =	task [dreg:s7], $0x5FFFF  }
0xac: {  	[dreg:$0x1] =	wrdreg $0xFFFFFFFF  }
0xad: {  	[dreg:$0x0] =	wrdreg $0x60  }
0xae: {  	[dreg:$0x2] =	wrdreg s2  }
0xaf: {  	[dreg:$0x3] =	wrdreg s24  }
0xb0: {  	[dreg:$0x4] =	wrdreg $0xBF800  }
0xb1: {  	[dreg:$0x5] =	wrdreg $0x9  }
0xb2: {  	_ =	task.clear_ibuf [dreg:s7], $0x6FFFF;
	_ =	strace $0x9000004C  }
0xb3: {  	s29 =	simm.s32 $0x9;
	_ =	strace $0x8000004E  }
0xb4: {  	_ =	swait.ge [sflag:s29], $0x1  }
0xb5: {  	[sflag:s29] =	ssyncadd.s32 $0xFFFFFFFF  }
0xb6: {  	_ =	strace $0x9000004E  }
0xb7: {  	_ =	sfence  }
0xb8: {  	s30 =	sld [smem:$0x0];
	_ =	sdelay $0x2  }
0xb9: {  	s31 =	sshll.u32 s1, $0xD;
	s1 =	sshrl.u32 s1, $0x2  }
0xba: {  	s3 =	sand.u32 $0x4000, s31;
	s1 =	sadd.s32 s1, s30  }
0xbb: {  	s0 =	sor.u32 s3, s0;
	s1 =	sshll.u32 s1, $0x11  }
0xbc: {  	s0 =	sor.u32 s1, s0  }
0xbd: {  	s0 =	sadd.s32 $0x8F2B, s0  }
0xbe: {  	[sflag:s0] =	ssyncadd.remote.s32 $0x1  }
0xbf: {  	_ =	sfence.sel $0xFFFF  }
0xc0: {  	[dreg:$0x0] =	wrdreg $0xFFFFFFFF;
	(pc) =	sbr.abs _section_cstart, $3  }
0xc1: {  	[dreg:$0x1] =	wrdreg $0xFFFFFFFF  }
0xc2: {  	_ =	task.clear_ibuf [dreg:s7], $0x2FFFF;
	_ =	strace $0x9FFFFFFF  }
0xc3: {  	(tm) =	ssettm $0x7FFFFFFF  }
tec
execute0_lowered:
.L_overlay_start_1:
0x0: {  	(tag) =	ssettag $0x1  }
0x1: {  	s1 =	rddreg [dreg:$0x0]  }
0x2: {  	s0 =	srdreg.scid;
	s5 =	rddreg [dreg:$0x1]  }
0x3: {  	s11 =	stileid.u32;
	s3 =	rddreg [dreg:$0x2];
	s0 =	sand.u32 $0x1, s0  }
0x4: {  	s7 =	sshll.u32 s11, $0x7;
	s15 =	smul.u32 $0x4E000, s11;
	s2 =	sshll.u32 s0, $0x4  }
0x5: {  	s7 =	sand.u32 $0x380, s7;
	s8 =	ssub.s32 $0x2, s0;
	s2 =	sor.u32 s11, s2  }
0x6: {  	s9 =	sshrl.u32 s8, $0x1;
	s16 =	sshrl.u32 s15, $0x2;
	s4 =	sshrl.u32 s2, $0x3  }
0x7: {  	s2 =	sshll.u32 s2, $0xB;
	s9 =	ssub.s32 s8, s9;
	s6 =	smul.u32 $0x13C00, s4  }
0x8: {  	s4 =	simm.s32 $0x0;
	s2 =	sadd.s32 s2, s5;
	s19 =	smax.u32 s9, $0x1  }
0x9: {  	[smem:$0x7FF] =	sst s4;
	s2 =	sadd.s32 $0x1E00, s2;
	s6 =	sor.u32 s7, s6  }
0xa: {  	_ =	strace $0x8000004D;
	[dreg:$0x5] =	wrdreg s2;
	s7 =	sadd.s32 s16, s3  }
0xb: {  	[dreg:$0x8] =	wrdreg s19;
	s20 =	sadd.s32 $0x800, s7  }
0xc: {  	s21 =	sadd.s32 $0x1000, s7;
	[dreg:$0x9] =	wrdreg s20  }
0xd: {  	s28 =	simm.s32 $0x1;
	s22 =	sadd.s32 $0x1800, s7;
	[dreg:$0xa] =	wrdreg s21  }
0xe: {  	s29 =	simm.s32 $0x50;
	s23 =	sadd.s32 $0x2000, s7;
	[dreg:$0xb] =	wrdreg s22  }
0xf: {  	s30 =	simm.s32 $0x6F80;
	s24 =	sadd.s32 $0x2800, s7;
	[dreg:$0xc] =	wrdreg s23  }
0x10: {  	s10 =	smul.u32 $0x13800, s11;
	s25 =	sadd.s32 $0x3000, s7;
	[dreg:$0xd] =	wrdreg s24  }
0x11: {  	s0 =	smul.u32 $0x138800, s0;
	s26 =	sadd.s32 $0x3800, s7;
	[dreg:$0xe] =	wrdreg s25  }
0x12: {  	s31 =	simm.s32 $0x9780;
	s9 =	sadd.s32 $0x5800, s7;
	[dreg:$0xf] =	wrdreg s26  }
0x13: {  	s17 =	sadd.s32 s10, s0;
	s10 =	sadd.s32 $0x6000, s7;
	[dreg:$0x13] =	wrdreg s9  }
0x14: {  	p0 =	sne.s32 s11, $0xF;
	s12 =	sadd.s32 $0x6800, s7;
	[dreg:$0x14] =	wrdreg s10  }
0x15: {  	s0 =	sshrl.u32 s0, $0x3;
	s13 =	sadd.s32 $0x7000, s7;
	[dreg:$0x15] =	wrdreg s12  }
0x16: {  	s8 =	sadd.s32 $0x138000, s3;
	s14 =	sadd.s32 $0x7800, s7;
	[dreg:$0x16] =	wrdreg s13  }
0x17: {  	s18 =	sshrl.u32 s17, $0x3;
	s15 =	sadd.s32 $0x8000, s7;
	[dreg:$0x17] =	wrdreg s14  }
0x18: {  	s6 =	sshrl.u32 s6, $0x3;
	s16 =	sadd.s32 $0x8800, s7;
	[dreg:$0x18] =	wrdreg s15  }
0x19: {  	s17 =	sadd.s32 $0x9000, s7;
	s19 =	sadd.s32 $0xA000, s7;
	[dreg:$0x19] =	wrdreg s16  }
0x1a: {  	s6 =	sadd.s32 s6, s5;
	s5 =	sadd.s32 $0x1BC00, s5;
	[dreg:$0x1a] =	wrdreg s17  }
0x1b: {  	[dreg:$0x1c] =	wrdreg s19;
	s20 =	sadd.s32 $0xA800, s7;
	s21 =	sadd.s32 $0xB000, s7  }
0x1c: {  	s22 =	sadd.s32 $0xB800, s7;
	s23 =	sadd.s32 $0xC000, s7;
	[dreg:$0x1d] =	wrdreg s20  }
0x1d: {  	s24 =	sadd.s32 $0xC800, s7;
	s25 =	sadd.s32 $0xD000, s7;
	[dreg:$0x1e] =	wrdreg s21  }
0x1e: {  	s26 =	sadd.s32 $0xD800, s7;
	s13 =	sadd.s32 $0xE000, s7;
	[dreg:$0x1f] =	wrdreg s22  }
0x1f: {  	s14 =	sadd.s32 $0xE800, s7;
	s15 =	sadd.s32 $0xF000, s7;
	[smem:$0x7FA] =	sst s23  }
0x20: {  	s16 =	sadd.s32 $0xF800, s7;
	s17 =	sadd.s32 $0x10000, s7;
	[smem:$0x7FB] =	sst s24  }
0x21: {  	s19 =	sadd.s32 $0x11000, s7;
	s6 =	sadd.s32 $0x11E00, s6;
	[smem:$0x7FC] =	sst s25  }
0x22: {  	s0 =	sadd.s32 s5, s0;
	s2 =	sadd.s32 s5, s18;
	[smem:$0x7FD] =	sst s26  }
0x23: {  	s5 =	sadd.s32 $0x4800, s7;
	s18 =	sadd.s32 $0x9800, s7;
	[dreg:$0x4] =	wrdreg s6  }
0x24: {  	s20 =	sadd.s32 $0x11800, s7;
	s21 =	sadd.s32 $0x12000, s7;
	[dreg:$0x6] =	wrdreg s2  }
0x25: {  	s22 =	sadd.s32 $0x12800, s7;
	s23 =	sadd.s32 $0x13000, s7;
	[dreg:$0x11] =	wrdreg s5  }
0x26: {  	s24 =	simm.s32 $0x800;
	s0 =	sadd.s32 $0x27000, s0;
	[dreg:$0x1b] =	wrdreg s18  }
0x27: {  	s25 =	simm.s32 $0x5;
	s2 =	sadd.s32 $0x4000, s7;
	[dreg:$0x7] =	wrdreg s0  }
0x28: {  	s26 =	simm.s32 $0x2F80;
	s6 =	sadd.s32 $0x5000, s7;
	[dreg:$0x10] =	wrdreg s2  }
0x29: {  	s18 =	sadd.s32 $0x10800, s7;
	s5 =	simm.s32 $0x4;
	[dreg:$0x12] =	wrdreg s6  }
0x2a: {  	v0 =	vimm.f32 $0.0e+00;
	s2 =	simm.s32 $0x3;
	s0 =	simm.s32 $0x2;
	s6 =	simm.s32 $0x0  }
.LBB2_1:
0x2b: {  	s9 =	rddreg [dreg:$0x4];
	s10 =	simm.s32 $0x80;
	s11 =	simm.s32 $0x400  }
0x2c: {  	[tilespmem:s24], [sflag:$0x5] =	stream.strided.gather [hbm4b:s9+s10], $0x2780, s11, s10, $0x38;
	[tilespmem:$0x1F800] =	vst v63  }
0x2d: {  	_ =	swait.ge [sflag:s25], $0x2780  }
0x2e: {  	[sflag:s25] =	ssyncset.done $0x0  }
0x2f: {  	s12 =	rddreg [dreg:$0x5];
	[sflag:s25] =	ssyncadd.s32 $0xFFFFD880  }
0x30: {  	[tilespmem:s26], [sflag:$0x5] =	stream.linear.gather [hbm4b:s12+s4], $0x3E80, $0x38;
	[tilespmem:$0x1F800] =	vst v63  }
0x31: {  	s10 =	sand.u32 $0x1E00, s4;
	s11 =	sand.u32 $0x70, s4;
	_ =	swait.ge [sflag:s25], $0x3E80  }
0x32: {  	s9 =	simm.s32 $0x40;
	s12 =	sshrl.u32 s10, $0x2;
	[sflag:s25] =	ssyncset.done $0x0  }
0x33: {  	s10 =	simm.s32 $0x0;
	s11 =	sor.u32 s11, s12;
	[sflag:s25] =	ssyncadd.s32 $0xFFFFC180  }
.LBB2_2:
0x34: {  	p1 =	sne.s32 s9, $0x1FC0  }
0x35: {  	[tilespmem:s11+$0x0] =	vst v0;
	s10 =	sadd.s32 $0x10, s10;
	s11 =	smov.u32 s9;
	s9 =	sadd.s32 $0x40, s9  }
.Ltmp0:
0x36: {  	(pc) =	sbr.rel @p1 .LBB2_2-.Ltmp0, $4  }
0x37: {  	_ = 	snop  }
0x38: {  	s11 =	sand.u32 $0x1E00, s11  }
0x39: {  	s12 =	sand.u32 $0x70, s10;
	s11 =	sshrl.u32 s11, $0x2  }
0x3a: {  	s11 =	sor.u32 s12, s11  }
0x3b: {  	[tilespmem:s11+$0x0] =	vst v0;
	s9 =	rddreg [dreg:$0x9]  }
0x3c: {  	[spmem:s7] =	stream.linear.scatter [tilespmem:s4], [sflag:$0x1], $0x800, $0x38;
	[tilespmem:$0x1F800] =	vst v63  }
0x3d: {  	s11 =	rddreg [dreg:$0xa]  }
0x3e: {  	[spmem:s9] =	stream.linear.scatter [tilespmem:s4], [sflag:$0x1], $0x800, $0x38;
	[tilespmem:$0x1F800] =	vst v63  }
0x3f: {  	s12 =	rddreg [dreg:$0xb]  }
0x40: {  	[spmem:s11] =	stream.linear.scatter [tilespmem:s4], [sflag:$0x1], $0x800, $0x38;
	[tilespmem:$0x1F800] =	vst v63  }
0x41: {  	s10 =	rddreg [dreg:$0xc]  }
0x42: {  	[spmem:s12] =	stream.linear.scatter [tilespmem:s4], [sflag:$0x1], $0x800, $0x38;
	[tilespmem:$0x1F800] =	vst v63  }
0x43: {  	s11 =	rddreg [dreg:$0xd]  }
0x44: {  	[spmem:s10] =	stream.linear.scatter [tilespmem:s4], [sflag:$0x1], $0x800, $0x38;
	[tilespmem:$0x1F800] =	vst v63  }
0x45: {  	s12 =	rddreg [dreg:$0xe]  }
0x46: {  	[spmem:s11] =	stream.linear.scatter [tilespmem:s4], [sflag:$0x1], $0x800, $0x38;
	[tilespmem:$0x1F800] =	vst v63  }
0x47: {  	s10 =	rddreg [dreg:$0xf]  }
0x48: {  	[spmem:s12] =	stream.linear.scatter [tilespmem:s4], [sflag:$0x1], $0x800, $0x38;
	[tilespmem:$0x1F800] =	vst v63  }
0x49: {  	s11 =	rddreg [dreg:$0x10]  }
0x4a: {  	[spmem:s10] =	stream.linear.scatter [tilespmem:s4], [sflag:$0x1], $0x800, $0x38;
	[tilespmem:$0x1F800] =	vst v63  }
0x4b: {  	s12 =	rddreg [dreg:$0x11]  }
0x4c: {  	[spmem:s11] =	stream.linear.scatter [tilespmem:s4], [sflag:$0x1], $0x800, $0x38;
	[tilespmem:$0x1F800] =	vst v63  }
0x4d: {  	s10 =	rddreg [dreg:$0x12]  }
0x4e: {  	[spmem:s12] =	stream.linear.scatter [tilespmem:s4], [sflag:$0x1], $0x800, $0x38;
	[tilespmem:$0x1F800] =	vst v63  }
0x4f: {  	s11 =	rddreg [dreg:$0x13]  }
0x50: {  	[spmem:s10] =	stream.linear.scatter [tilespmem:s4], [sflag:$0x1], $0x800, $0x38;
	[tilespmem:$0x1F800] =	vst v63  }
0x51: {  	s12 =	rddreg [dreg:$0x14]  }
0x52: {  	[spmem:s11] =	stream.linear.scatter [tilespmem:s4], [sflag:$0x1], $0x800, $0x38;
	[tilespmem:$0x1F800] =	vst v63  }
0x53: {  	s10 =	rddreg [dreg:$0x15]  }
0x54: {  	[spmem:s12] =	stream.linear.scatter [tilespmem:s4], [sflag:$0x1], $0x800, $0x38;
	[tilespmem:$0x1F800] =	vst v63  }
0x55: {  	s11 =	rddreg [dreg:$0x16]  }
0x56: {  	[spmem:s10] =	stream.linear.scatter [tilespmem:s4], [sflag:$0x1], $0x800, $0x38;
	[tilespmem:$0x1F800] =	vst v63  }
0x57: {  	s12 =	rddreg [dreg:$0x17]  }
0x58: {  	[spmem:s11] =	stream.linear.scatter [tilespmem:s4], [sflag:$0x1], $0x800, $0x38;
	[tilespmem:$0x1F800] =	vst v63  }
0x59: {  	s10 =	rddreg [dreg:$0x18]  }
0x5a: {  	[spmem:s12] =	stream.linear.scatter [tilespmem:s4], [sflag:$0x1], $0x800, $0x38;
	[tilespmem:$0x1F800] =	vst v63  }
0x5b: {  	s11 =	rddreg [dreg:$0x19]  }
0x5c: {  	[spmem:s10] =	stream.linear.scatter [tilespmem:s4], [sflag:$0x1], $0x800, $0x38;
	[tilespmem:$0x1F800] =	vst v63  }
0x5d: {  	s12 =	rddreg [dreg:$0x1a]  }
0x5e: {  	[spmem:s11] =	stream.linear.scatter [tilespmem:s4], [sflag:$0x1], $0x800, $0x38;
	[tilespmem:$0x1F800] =	vst v63  }
0x5f: {  	s10 =	rddreg [dreg:$0x1b]  }
0x60: {  	[spmem:s12] =	stream.linear.scatter [tilespmem:s4], [sflag:$0x1], $0x800, $0x38;
	[tilespmem:$0x1F800] =	vst v63  }
0x61: {  	s11 =	rddreg [dreg:$0x1c]  }
0x62: {  	[spmem:s10] =	stream.linear.scatter [tilespmem:s4], [sflag:$0x1], $0x800, $0x38;
	[tilespmem:$0x1F800] =	vst v63  }
0x63: {  	s12 =	rddreg [dreg:$0x1d]  }
0x64: {  	[spmem:s11] =	stream.linear.scatter [tilespmem:s4], [sflag:$0x1], $0x800, $0x38;
	[tilespmem:$0x1F800] =	vst v63  }
0x65: {  	s10 =	rddreg [dreg:$0x1e]  }
0x66: {  	[spmem:s12] =	stream.linear.scatter [tilespmem:s4], [sflag:$0x1], $0x800, $0x38;
	[tilespmem:$0x1F800] =	vst v63  }
0x67: {  	s11 =	rddreg [dreg:$0x1f]  }
0x68: {  	[spmem:s10] =	stream.linear.scatter [tilespmem:s4], [sflag:$0x1], $0x800, $0x38;
	[tilespmem:$0x1F800] =	vst v63  }
0x69: {  	s12 =	sld [smem:$0x7FA]  }
0x6a: {  	[spmem:s11] =	stream.linear.scatter [tilespmem:s4], [sflag:$0x1], $0x800, $0x38;
	[tilespmem:$0x1F800] =	vst v63  }
0x6b: {  	s10 =	sld [smem:$0x7FB]  }
0x6c: {  	[spmem:s12] =	stream.linear.scatter [tilespmem:s4], [sflag:$0x1], $0x800, $0x38;
	[tilespmem:$0x1F800] =	vst v63  }
0x6d: {  	s11 =	sld [smem:$0x7FC]  }
0x6e: {  	[spmem:s10] =	stream.linear.scatter [tilespmem:s4], [sflag:$0x1], $0x800, $0x38;
	[tilespmem:$0x1F800] =	vst v63  }
0x6f: {  	s12 =	sld [smem:$0x7FD]  }
0x70: {  	[spmem:s11] =	stream.linear.scatter [tilespmem:s4], [sflag:$0x1], $0x800, $0x38;
	[tilespmem:$0x1F800] =	vst v63  }
0x71: {  	_ = 	snop  }
0x72: {  	[spmem:s12] =	stream.linear.scatter [tilespmem:s4], [sflag:$0x1], $0x800, $0x38;
	[tilespmem:$0x1F800] =	vst v63  }
0x73: {  	_ = 	snop  }
0x74: {  	[spmem:s13] =	stream.linear.scatter [tilespmem:s4], [sflag:$0x1], $0x800, $0x38;
	[tilespmem:$0x1F800] =	vst v63  }
0x75: {  	_ = 	snop  }
0x76: {  	[spmem:s14] =	stream.linear.scatter [tilespmem:s4], [sflag:$0x1], $0x800, $0x38;
	[tilespmem:$0x1F800] =	vst v63  }
0x77: {  	_ = 	snop  }
0x78: {  	[spmem:s15] =	stream.linear.scatter [tilespmem:s4], [sflag:$0x1], $0x800, $0x38;
	[tilespmem:$0x1F800] =	vst v63  }
0x79: {  	_ = 	snop  }
0x7a: {  	[spmem:s16] =	stream.linear.scatter [tilespmem:s4], [sflag:$0x1], $0x800, $0x38;
	[tilespmem:$0x1F800] =	vst v63  }
0x7b: {  	_ = 	snop  }
0x7c: {  	[spmem:s17] =	stream.linear.scatter [tilespmem:s4], [sflag:$0x1], $0x800, $0x38;
	[tilespmem:$0x1F800] =	vst v63  }
0x7d: {  	_ = 	snop  }
0x7e: {  	[spmem:s18] =	stream.linear.scatter [tilespmem:s4], [sflag:$0x1], $0x800, $0x38;
	[tilespmem:$0x1F800] =	vst v63  }
0x7f: {  	_ = 	snop  }
0x80: {  	[spmem:s19] =	stream.linear.scatter [tilespmem:s4], [sflag:$0x1], $0x800, $0x38;
	[tilespmem:$0x1F800] =	vst v63  }
0x81: {  	_ = 	snop  }
0x82: {  	[spmem:s20] =	stream.linear.scatter [tilespmem:s4], [sflag:$0x1], $0x800, $0x38;
	[tilespmem:$0x1F800] =	vst v63  }
0x83: {  	_ = 	snop  }
0x84: {  	[spmem:s21] =	stream.linear.scatter [tilespmem:s4], [sflag:$0x1], $0x800, $0x38;
	[tilespmem:$0x1F800] =	vst v63  }
0x85: {  	_ = 	snop  }
0x86: {  	[spmem:s22] =	stream.linear.scatter [tilespmem:s4], [sflag:$0x1], $0x800, $0x38;
	[tilespmem:$0x1F800] =	vst v63  }
0x87: {  	_ = 	snop  }
0x88: {  	[spmem:s23] =	stream.linear.scatter [tilespmem:s4], [sflag:$0x1], $0x800, $0x38;
	[tilespmem:$0x1F800] =	vst v63  }
0x89: {  	s9 =	simm.s32 @!p0 $0x0  }
0x8a: {  	[spmem:s8] =	stream.linear.scatter @!p0 [tilespmem:s9], [sflag:$0x5], $0x800, $0x38;
	[tilespmem:$0x1F800] =	vst v63  }
0x8b: {  	s9 =	simm.s32 @!p0 $0x5  }
0x8c: {  	_ =	swait.ge @!p0 [sflag:s9], $0x800  }
0x8d: {  	[sflag:s9] =	ssyncset.done @!p0 $0x0  }
0x8e: {  	[sflag:s9] =	ssyncadd.s32 @!p0 $0xFFFFF800  }
0x8f: {  	_ =	swait.ge [sflag:s28], $0x800  }
0x90: {  	s9 =	simm.s32 $0x26;
	[sflag:s28] =	ssyncset.done $0x0  }
.LBB2_4:
0x91: {  	p1 =	sne.s32 s9, $0x1;
	s9 =	sadd.s32 $0xFFFFFFFF, s9;
	[sflag:s28] =	ssyncadd.s32 $0xFFFFF800  }
.Ltmp1:
0x92: {  	(pc) =	sbr.rel @p1 .LBB2_4-.Ltmp1, $3  }
0x93: {  	_ =	sdelay $0x1  }
0x94: {  	_ =	swait.ge [sflag:s28], $0x800  }
0x95: {  	[sflag:s28] =	ssyncset.done $0x0  }
0x96: {  	[sflag:s28] =	ssyncadd.s32 $0xFFFFF800  }
0x97: {  	[bflag:$0x0] =	sbarrier.arrive $0xFFFF  }
0x98: {  	[tilespmem:s30], [sflag:$0x1] =	stream.indirect.gather [hbm4b:s1+s29], $0x80, s24, s29, $0xb8;
	[tilespmem:$0x1F800] =	vst v63  }
0x99: {  	s9 =	simm.s32 $0x850  }
0x9a: {  	[tilespmem:s31], [sflag:$0x2] =	stream.indirect.gather [hbm4b:s1+s29], $0x80, s9, s29, $0xb8;
	[tilespmem:$0x1F800] =	vst v63  }
0x9b: {  	_ =	swait.ge [sflag:s28], $0x2800  }
0x9c: {  	[sflag:s28] =	ssyncset.done $0x0  }
0x9d: {  	[sflag:s28] =	ssyncadd.s32 $0xFFFFD800  }
0x9e: {  	[spmem:s3] =	stream.indirect.scatter.add.f32 [tilespmem:s30], [sflag:$0x3], $0x80, s26, s29, $0xb8;
	[tilespmem:$0x1F800] =	vst v63  }
0x9f: {  	_ =	swait.ge [sflag:s2], $0x2800  }
0xa0: {  	[sflag:s2] =	ssyncset.done $0x0  }
0xa1: {  	s11 =	simm.s32 $0x8A0;
	[sflag:s2] =	ssyncadd.s32 $0xFFFFD800  }
0xa2: {  	[tilespmem:s30], [sflag:$0x1] =	stream.indirect.gather [hbm4b:s1+s29], $0x80, s11, s29, $0xb8;
	[tilespmem:$0x1F800] =	vst v63  }
0xa3: {  	_ =	swait.ge [sflag:s0], $0x2800  }
0xa4: {  	[sflag:s0] =	ssyncset.done $0x0  }
0xa5: {  	s12 =	simm.s32 $0x3000;
	[sflag:s0] =	ssyncadd.s32 $0xFFFFD800  }
0xa6: {  	[spmem:s3] =	stream.indirect.scatter.add.f32 [tilespmem:s31], [sflag:$0x4], $0x80, s12, s29, $0xb8;
	[tilespmem:$0x1F800] =	vst v63  }
0xa7: {  	_ =	swait.ge [sflag:s5], $0x2800  }
0xa8: {  	[sflag:s5] =	ssyncset.done $0x0  }
0xa9: {  	s10 =	simm.s32 $0x8F0;
	[sflag:s5] =	ssyncadd.s32 $0xFFFFD800  }
0xaa: {  	[tilespmem:s31], [sflag:$0x2] =	stream.indirect.gather [hbm4b:s1+s29], $0x80, s10, s29, $0xb8;
	[tilespmem:$0x1F800] =	vst v63  }
0xab: {  	_ =	swait.ge [sflag:s28], $0x2800  }
0xac: {  	[sflag:s28] =	ssyncset.done $0x0  }
0xad: {  	s11 =	simm.s32 $0x3080;
	[sflag:s28] =	ssyncadd.s32 $0xFFFFD800  }
0xae: {  	[spmem:s3] =	stream.indirect.scatter.add.f32 [tilespmem:s30], [sflag:$0x3], $0x80, s11, s29, $0xb8;
	[tilespmem:$0x1F800] =	vst v63  }
0xaf: {  	_ =	swait.ge [sflag:s2], $0x2800  }
0xb0: {  	[sflag:s2] =	ssyncset.done $0x0  }
0xb1: {  	s12 =	simm.s32 $0x940;
	[sflag:s2] =	ssyncadd.s32 $0xFFFFD800  }
0xb2: {  	[tilespmem:s30], [sflag:$0x1] =	stream.indirect.gather [hbm4b:s1+s29], $0x80, s12, s29, $0xb8;
	[tilespmem:$0x1F800] =	vst v63  }
0xb3: {  	_ =	swait.ge [sflag:s0], $0x2800  }
0xb4: {  	s9 =	simm.s32 $0xFFFF6A00;
	[sflag:s0] =	ssyncset.done $0x0  }
0xb5: {  	s10 =	simm.s32 $0x3180;
	s11 =	simm.s32 $0x3100;
	[sflag:s0] =	ssyncadd.s32 $0xFFFFD800  }
.LBB2_6:
0xb6: {  	[spmem:s3] =	stream.indirect.scatter.add.f32 [tilespmem:s31], [sflag:$0x4], $0x80, s11, s29, $0xb8;
	[tilespmem:$0x1F800] =	vst v63  }
0xb7: {  	s11 =	smov.u32 s9  }
0xb8: {  	p1 =	sne.s32 s9, $0xFFFFFD80;
	s9 =	sadd.s32 $0x280, s9;
	_ =	swait.ge [sflag:s5], $0x2800  }
0xb9: {  	s11 =	sshra.s32 s11, $0x2;
	[sflag:s5] =	ssyncset.done $0x0  }
0xba: {  	s12 =	sadd.s32 $0x2F10, s11;
	[sflag:s5] =	ssyncadd.s32 $0xFFFFD800  }
0xbb: {  	[tilespmem:s31], [sflag:$0x2] =	stream.indirect.gather [hbm4b:s1+s29], $0x80, s12, s29, $0xb8;
	[tilespmem:$0x1F800] =	vst v63  }
0xbc: {  	_ =	swait.ge [sflag:s28], $0x2800  }
0xbd: {  	[sflag:s28] =	ssyncset.done $0x0  }
0xbe: {  	[sflag:s28] =	ssyncadd.s32 $0xFFFFD800  }
0xbf: {  	[spmem:s3] =	stream.indirect.scatter.add.f32 [tilespmem:s30], [sflag:$0x3], $0x80, s10, s29, $0xb8;
	[tilespmem:$0x1F800] =	vst v63  }
0xc0: {  	_ =	swait.ge [sflag:s2], $0x2800  }
0xc1: {  	[sflag:s2] =	ssyncset.done $0x0  }
.Ltmp2:
0xc2: {  	s11 =	sadd.s32 $0x2F60, s11;
	[sflag:s2] =	ssyncadd.s32 $0xFFFFD800;
	(pc) =	sbr.rel @p1 .LBB2_6-.Ltmp2, $4  }
0xc3: {  	[tilespmem:s30], [sflag:$0x1] =	stream.indirect.gather [hbm4b:s1+s29], $0x80, s11, s29, $0xb8;
	[tilespmem:$0x1F800] =	vst v63  }
0xc4: {  	_ =	swait.ge [sflag:s0], $0x2800  }
0xc5: {  	[sflag:s0] =	ssyncset.done $0x0  }
0xc6: {  	s11 =	sadd.s32 $0x80, s10;
	s10 =	sadd.s32 $0x100, s10;
	[sflag:s0] =	ssyncadd.s32 $0xFFFFD800  }
0xc7: {  	[spmem:s3] =	stream.indirect.scatter.add.f32 [tilespmem:s31], [sflag:$0x4], $0x80, s11, s29, $0xb8;
	[tilespmem:$0x1F800] =	vst v63  }
0xc8: {  	_ =	swait.ge [sflag:s28], $0x2800  }
0xc9: {  	[sflag:s28] =	ssyncset.done $0x0  }
0xca: {  	s9 =	simm.s32 $0x6D80;
	[sflag:s28] =	ssyncadd.s32 $0xFFFFD800  }
0xcb: {  	[spmem:s3] =	stream.indirect.scatter.add.f32 [tilespmem:s30], [sflag:$0x3], $0x80, s9, s29, $0xb8;
	[tilespmem:$0x1F800] =	vst v63  }
0xcc: {  	_ =	swait.ge [sflag:s5], $0x2800  }
0xcd: {  	[sflag:s5] =	ssyncset.done $0x0  }
0xce: {  	[sflag:s5] =	ssyncadd.s32 $0xFFFFD800  }
0xcf: {  	_ =	swait.ge [sflag:s2], $0x2800  }
0xd0: {  	[sflag:s2] =	ssyncset.done $0x0  }
0xd1: {  	s11 =	stileid.u32;
	[sflag:s2] =	ssyncadd.s32 $0xFFFFD800  }
0xd2: {  	s9 =	sshll.u32 s11, $0x6;
	[bflag:$0x0] =	sbarrier.arrive $0xFFFF  }
0xd3: {  	s10 =	sshrl.u32 s7, $0x3;
	s9 =	sor.u32 $0x1C05, s9;
	s12 =	rddreg [dreg:$0x6]  }
0xd4: {  	[hbm:s12], [sflag:s9] =	dma.local [spmem:s10], $0x2700  }
0xd5: {  	_ =	swait.ge [sflag:s25], $0x2700  }
0xd6: {  	[sflag:s25] =	ssyncset.done $0x0  }
0xd7: {  	s10 =	sshrl.u32 @!p0 s8, $0x3;
	s11 =	rddreg [dreg:$0x7];
	[sflag:s25] =	ssyncadd.s32 $0xFFFFD900  }
0xd8: {  	[hbm:s11], [sflag:s9] =	dma.local @!p0 [spmem:s10], $0x100  }
0xd9: {  	s9 =	simm.s32 @!p0 $0x5  }
0xda: {  	_ =	swait.ge @!p0 [sflag:s9], $0x100  }
0xdb: {  	s6 =	sadd.s32 $0x1, s6;
	s12 =	rddreg [dreg:$0x8]  }
0xdc: {  	p1 =	sne.s32 s6, s12  }
.Ltmp3:
0xdd: {  	_ = 	snop;
	(pc) =	sbr.rel @p1 .LBB2_1-.Ltmp3, $3  }
0xde: {  	_ =	sdelay $0x1  }
0xdf: {  	[sflag:s9] =	ssyncset.done @!p0 $0x0  }
0xe0: {  	[sflag:s9] =	ssyncadd.s32 @!p0 $0xFFFFFF00  }
0xe1: {  	_ =	sfence.sel $0x180000  }
0xe2: {  	[bflag:$0x0] =	sbarrier.arrive $0xFFFF  }
0xe3: {  	_ =	strace $0x9000004D  }
0xe4: {  	s0 =	stileid.u32;
	[bflag:$0x2] =	sbarrier.arrive $0xFFFF  }
0xe5: {  	p0 =	sne.s32 s0, $0x0;
	s0 =	rddreg [dreg:$0x3]  }
0xe6: {  	s0 =	sadd.s32 @!p0 $0x100000, s0  }
0xe7: {  	[sflag:s0] =	ssyncadd.tile.s32 @!p0 $0x1;
	_ =	shalt  }
.Lfunc_end2:
_tile_overlayer_lowered:
.L_overlay_start_2:
0xe8: {  	(tag) =	ssettag $0x2  }
0xe9: {  	s0 =	rddreg [dreg:$0x0];
	s2 =	stileid.u32  }
0xea: {  	s1 =	rddreg [dreg:$0x1];
	p0 =	sne.s32 s2, $0x0  }
0xeb: {  	s3 =	rddreg [dreg:$0x2];
	[bflag:$0x3] =	sbarrier.arrive $0xFFFF;
	s2 =	simm.s32 @!p0 $0x1C05  }
0xec: {  	[timem:s3], [sflag:s2] =	dma.local @!p0 [hbm:s0], s1  }
0xed: {  	s0 =	simm.s32 @!p0 $0x5  }
0xee: {  	_ =	swait.ge @!p0 [sflag:s0], s1  }
0xef: {  	s1 =	ssub.s32 @!p0 $0x0, s1;
	[sflag:s0] =	ssyncset.done @!p0 $0x0  }
0xf0: {  	[sflag:s0] =	ssyncadd.s32 @!p0 s1  }
0xf1: {  	[bflag:$0x3] =	sbarrier.arrive $0xFFFF  }
0xf2: {  	_ =	shalt  }

// kernel: kernel.8.cloned.1.call-start
scs
__scs_entry_jumppad:
0x0: {  	(pc) =	sbr.rel $0x88, $3  }
0x1: {  	(tag) =	ssettag $0x0;
	lr =	simm.s32 $0x1  }
0x2: {  	[smem:$0x3F9B] =	sst lr;
	_ =	strace $0xD0000000  }
0x3: {  	_ = 	snop  }
0x4: {  	_ = 	snop  }
0x5: {  	_ = 	snop  }
0x6: {  	_ = 	snop  }
0x7: {  	_ = 	snop  }
__scs_overlays_trampoline_lowered:
0x8: {  	[smem:$0x3FAA] =	sst s0  }
0x9: {  	[smem:$0x3FAB] =	sst s1  }
0xa: {  	[smem:$0x3FAC] =	sst s2  }
0xb: {  	[smem:$0x3FAD] =	sst s3  }
0xc: {  	[smem:$0x3FAE] =	sst s4  }
0xd: {  	[smem:$0x3FAF] =	sst s5  }
0xe: {  	[smem:$0x3FB0] =	sst s6  }
0xf: {  	[smem:$0x3FB1] =	sst s7  }
0x10: {  	[smem:$0x3FB2] =	sst s8  }
0x11: {  	[smem:$0x3FB3] =	sst s9;
	s0 =	simm.s32 @!p0 $0x0  }
0x12: {  	s1 =	sld [smem:$0x3F99];
	s0 =	simm.s32 @p0 $0x1  }
0x13: {  	[smem:$0x3FB4] =	sst s0;
	s0 =	simm.s32 @!p1 $0x0  }
0x14: {  	s2 =	sld [smem:$0x3F98];
	s0 =	simm.s32 @p1 $0x1  }
0x15: {  	[smem:$0x3FB5] =	sst s0;
	s0 =	simm.s32 @!p2 $0x0  }
0x16: {  	s3 =	sld [smem:$0x3FDB];
	s0 =	simm.s32 @p2 $0x1  }
0x17: {  	s4 =	simm.s32 $0x1BF5;
	[smem:$0x3FB7] =	sst s0  }
0x18: {  	s0 =	sld [smem:$0x3F9A];
	_ =	swait.ge [sflag:s4], $0x0  }
0x19: {  	s7 =	sld [smem:$0x3F9B]  }
0x1a: {  	s8 =	sadd.s32 $0xFFFFE003, lr  }
0x1b: {  	s9 =	sadd.s32 $0xFFFFFEF7, lr;
	s5 =	simm.s32 $0xFFFFFFFF;
	p2 =	slt.u32 s8, $0xFFFFF086  }
0x1c: {  	p1 =	slt.u32 s9, $0xF7A;
	s5 =	simm.s32 @!p2 $0x0  }
0x1d: {  	s5 =	simm.s32 @p1 $0x1;
	p0 =	seq.s32 s7, s2  }
0x1e: {  	s7 =	smul.u32 @!p0 $0xF7A, s2;
	p2 =	seq.s32 @!p0 s5, $0x0  }
0x1f: {  	s9 =	smul.u32 $0xF7A, s1;
	s8 =	simm.s32 @!p0 $0x1BF5;
	p2 =	por !p2, p0  }
0x20: {  	[sflag:s8] =	ssyncset.s32 @!p0 $0xFFFFF086;
	s6 =	sadd.s32 @!p0 s3, s7;
	s7 =	simm.s32 @!p0 $0x108  }
0x21: {  	s3 =	sadd.s32 s3, s9;
	s6 =	sadd.s32 @!p0 $0x88, s6;
	s7 =	simm.s32 @p2 $0x1082  }
0x22: {  	[simem:s7], [sflag:s8] =	dma.local @!p0 [hbm:s6], $0xF7A  }
0x23: {  	s9 =	sor.u32 $0xD0000000, s2;
	s6 =	simm.s32 $0x108;
	_ =	swait.ge @!p0 [sflag:s8], $0x0  }
0x24: {  	s3 =	sadd.s32 $0x88, s3;
	s6 =	simm.s32 @!p1 $0x1082;
	[sflag:s4] =	ssyncset.s32 $0xFFFFF086  }
0x25: {  	[simem:s6], [sflag:s4] =	dma.local [hbm:s3], $0xF7A  }
0x26: {  	[smem:$0x3F9B] =	sst s1;
	(tag) =	ssettag s2;
	_ =	strace s9  }
0x27: {  	s1 =	sld [smem:$0x3FAB]  }
0x28: {  	s2 =	sld [smem:$0x3FAC]  }
0x29: {  	s4 =	sld [smem:$0x3FAE]  }
0x2a: {  	p0 =	seq.s32 s5, $0x0;
	s5 =	sld [smem:$0x3FAF]  }
0x2b: {  	s6 =	sld [smem:$0x3FB0]  }
0x2c: {  	s7 =	sld [smem:$0x3FB1]  }
0x2d: {  	s3 =	simm.s32 $0x108;
	s8 =	sld [smem:$0x3FB2]  }
0x2e: {  	s3 =	simm.s32 @!p0 $0x1082;
	s9 =	sld [smem:$0x3FB3]  }
0x2f: {  	lr =	sadd.s32 s0, s3;
	s0 =	sld [smem:$0x3FAA]  }
0x30: {  	s3 =	sld [smem:$0x3FAD]  }
0x31: {  	[smem:$0x3FB6] =	sst s10  }
0x32: {  	s10 =	sld [smem:$0x3FB4];
	_ =	sdelay $0x3  }
0x33: {  	p0 =	seq.s32 s10, $0x1;
	s10 =	sld [smem:$0x3FB6];
	_ =	sdelay $0x3  }
0x34: {  	[smem:$0x3FB6] =	sst s10  }
0x35: {  	s10 =	sld [smem:$0x3FB5];
	_ =	sdelay $0x3  }
0x36: {  	p1 =	seq.s32 s10, $0x1;
	s10 =	sld [smem:$0x3FB6];
	_ =	sdelay $0x3  }
0x37: {  	[smem:$0x3FB6] =	sst s10  }
0x38: {  	s10 =	sld [smem:$0x3FB7]  }
0x39: {  	_ = 	snop;
	(pc) =	sbr.ind lr, $3  }
0x3a: {  	_ = 	snop  }
0x3b: {  	_ = 	snop  }
0x3c: {  	p2 =	seq.s32 s10, $0x1;
	s10 =	sld [smem:$0x3FB6]  }
0x3d: {  	_ =	shalt  }
0x3e: {  	_ =	shalt  }
0x3f: {  	_ =	shalt  }
0x40: {  	_ =	shalt  }
0x41: {  	_ =	shalt  }
0x42: {  	_ =	shalt  }
0x43: {  	_ =	shalt  }
0x44: {  	_ =	shalt  }
0x45: {  	_ =	shalt  }
0x46: {  	_ =	shalt  }
0x47: {  	_ =	shalt  }
0x48: {  	_ =	shalt  }
0x49: {  	_ =	shalt  }
0x4a: {  	_ =	shalt  }
0x4b: {  	_ =	shalt  }
0x4c: {  	_ =	shalt  }
0x4d: {  	_ =	shalt  }
0x4e: {  	_ =	shalt  }
0x4f: {  	_ =	shalt  }
0x50: {  	_ =	shalt  }
0x51: {  	_ =	shalt  }
0x52: {  	_ =	shalt  }
0x53: {  	_ =	shalt  }
0x54: {  	_ =	shalt  }
0x55: {  	_ =	shalt  }
0x56: {  	_ =	shalt  }
0x57: {  	_ =	shalt  }
0x58: {  	_ =	shalt  }
0x59: {  	_ =	shalt  }
0x5a: {  	_ =	shalt  }
0x5b: {  	_ =	shalt  }
0x5c: {  	_ =	shalt  }
0x5d: {  	_ =	shalt  }
0x5e: {  	_ =	shalt  }
0x5f: {  	_ =	shalt  }
0x60: {  	_ =	shalt  }
0x61: {  	_ =	shalt  }
0x62: {  	_ =	shalt  }
0x63: {  	_ =	shalt  }
0x64: {  	_ =	shalt  }
0x65: {  	_ =	shalt  }
0x66: {  	_ =	shalt  }
0x67: {  	_ =	shalt  }
0x68: {  	_ =	shalt  }
0x69: {  	_ =	shalt  }
0x6a: {  	_ =	shalt  }
0x6b: {  	_ =	shalt  }
0x6c: {  	_ =	shalt  }
0x6d: {  	_ =	shalt  }
0x6e: {  	_ =	shalt  }
0x6f: {  	_ =	shalt  }
0x70: {  	_ =	shalt  }
0x71: {  	_ =	shalt  }
0x72: {  	_ =	shalt  }
0x73: {  	_ =	shalt  }
0x74: {  	_ =	shalt  }
0x75: {  	_ =	shalt  }
0x76: {  	_ =	shalt  }
0x77: {  	_ =	shalt  }
0x78: {  	_ =	shalt  }
0x79: {  	_ =	shalt  }
0x7a: {  	_ =	shalt  }
0x7b: {  	_ =	shalt  }
0x7c: {  	_ =	shalt  }
0x7d: {  	_ =	shalt  }
0x7e: {  	_ =	shalt  }
0x7f: {  	_ =	shalt  }
0x80: {  	_ =	shalt  }
0x81: {  	_ =	shalt  }
0x82: {  	_ =	shalt  }
0x83: {  	_ =	shalt  }
0x84: {  	_ =	shalt  }
0x85: {  	_ =	shalt  }
0x86: {  	_ =	shalt  }
0x87: {  	_ =	shalt  }
.Lfunc_end0:
.L_simem_size_0:
called_computation_lowered:
.L_overlay_start_0:
0x88: {  	s2 =	sld [smem:$0x3FD9]  }
0x89: {  	s3 =	sld [smem:$0x3FFE];
	_ =	sdelay $0x1  }
0x8a: {  	s1 =	srdreg.scid  }
0x8b: {  	s0 =	sand.u32 $0x1, s1  }
0x8c: {  	s17 =	sshll.u32 s0, $0xA;
	s2 =	sadd.s32 s3, s2  }
0x8d: {  	s2 =	sadd.s32 s2, s17  }
0x8e: {  	[smem:$0x3FC2] =	sst s2  }
0x8f: {  	_ = 	snop  }
0x90: {  	s2 =	sld [smem:$0x3FD0];
	(tm) =	ssettm $0x1  }
0x91: {  	s18 =	sld [smem:$0x3FFB];
	_ =	sdelay $0x3  }
0x92: {  	_ =	strace s18  }
0x93: {  	s3 =	sld [smem:$0x3FFC];
	_ =	sdelay $0x3  }
0x94: {  	_ =	strace s3  }
0x95: {  	s3 =	sld [smem:$0x3FFD];
	_ =	sdelay $0x3  }
0x96: {  	_ =	strace s3  }
0x97: {  	_ =	strace $0x8FFFFFFF  }
0x98: {  	s19 =	sld [smem:$0x3FDB];
	_ =	sdelay $0x1  }
0x99: {  	s4 =	simm.s32 $_scs_section_size  }
0x9a: {  	s5 =	simm.s32 $_size__tile_overlayer_lowered;
	s6 =	simm.s32 $_tile_overlayer_lowered  }
0x9b: {  	s22 =	simm.s32 $0x1BFF;
	s21 =	sshll.u32 s6, $0x1;
	s3 =	sadd.s32 s4, s19  }
0x9c: {  	s7 =	simm.s32 $0x0;
	s20 =	sshll.u32 s5, $0x1;
	s5 =	sadd.s32 s21, s3  }
0x9d: {  	[timem:s7], [sflag:s22] =	dma.local [hbm:s5], s20  }
0x9e: {  	_ =	swait.ge [sflag:s22], s20  }
0x9f: {  	s4 =	ssub.s32 $0x0, s20;
	[sflag:s22] =	ssyncset.done $0x0  }
0xa0: {  	[sflag:s22] =	ssyncadd.s32 s4;
	_ =	sdelay $0x1  }
0xa1: {  	s23 =	simm.s32 $0x1B8B  }
0xa2: {  	_ =	swait.ge [sflag:s23], $0x1  }
0xa3: {  	[sflag:s23] =	ssyncset.done $0x0  }
0xa4: {  	s25 =	simm.s32 $0x1B8E;
	s24 =	sld [smem:$0x3FFE];
	[sflag:s23] =	ssyncadd.s32 $0xFFFFFFFF  }
0xa5: {  	s26 =	simm.s32 $execute0_lowered;
	[smem:$0x3FD2] =	sst s25  }
0xa6: {  	s5 =	sshll.u32 s26, $0x1;
	_ =	strace $0x80000046;
	[dreg:$0x1] =	wrdreg $0xFFFFFFFF  }
0xa7: {  	s28 =	simm.s32 $_size_execute0_lowered;
	s3 =	sadd.s32 s3, s5;
	[dreg:$0x0] =	wrdreg $0x0  }
0xa8: {  	s5 =	sshll.u32 s28, $0x1;
	[dreg:$0x2] =	wrdreg s3  }
0xa9: {  	[dreg:$0x3] =	wrdreg s5  }
0xaa: {  	[dreg:$0x4] =	wrdreg $0xC0  }
0xab: {  	_ =	task [dreg:s7], $0x5FFFF  }
0xac: {  	[dreg:$0x1] =	wrdreg $0xFFFFFFFF  }
0xad: {  	[dreg:$0x0] =	wrdreg $0x60  }
0xae: {  	[dreg:$0x2] =	wrdreg s24  }
0xaf: {  	[dreg:$0x3] =	wrdreg s2  }
0xb0: {  	[dreg:$0x4] =	wrdreg $0x68000  }
0xb1: {  	[dreg:$0x5] =	wrdreg $0x9  }
0xb2: {  	_ =	task.clear_ibuf [dreg:s7], $0x6FFFF;
	_ =	strace $0x90000046  }
0xb3: {  	s29 =	simm.s32 $0x9;
	_ =	strace $0x80000048  }
0xb4: {  	_ =	swait.ge [sflag:s29], $0x1  }
0xb5: {  	[sflag:s29] =	ssyncadd.s32 $0xFFFFFFFF  }
0xb6: {  	_ =	strace $0x90000048  }
0xb7: {  	_ =	sfence  }
0xb8: {  	s30 =	sld [smem:$0x0];
	_ =	sdelay $0x2  }
0xb9: {  	s31 =	sshll.u32 s1, $0xD;
	s1 =	sshrl.u32 s1, $0x2  }
0xba: {  	s3 =	sand.u32 $0x4000, s31;
	s1 =	sadd.s32 s1, s30  }
0xbb: {  	s0 =	sor.u32 s3, s0;
	s1 =	sshll.u32 s1, $0x11  }
0xbc: {  	s0 =	sor.u32 s1, s0  }
0xbd: {  	s0 =	sadd.s32 $0x8F2B, s0  }
0xbe: {  	[sflag:s0] =	ssyncadd.remote.s32 $0x1  }
0xbf: {  	_ =	sfence.sel $0xFFFF  }
0xc0: {  	[dreg:$0x0] =	wrdreg $0xFFFFFFFF;
	(pc) =	sbr.abs _section_cstart, $3  }
0xc1: {  	[dreg:$0x1] =	wrdreg $0xFFFFFFFF  }
0xc2: {  	_ =	task.clear_ibuf [dreg:s7], $0x2FFFF;
	_ =	strace $0x9FFFFFFF  }
0xc3: {  	(tm) =	ssettm $0x7FFFFFFF  }
tec
execute0_lowered:
.L_overlay_start_1:
0x0: {  	(tag) =	ssettag $0x1  }
0x1: {  	s3 =	rddreg [dreg:$0x0]  }
0x2: {  	s4 =	rddreg [dreg:$0x1]  }
0x3: {  	s1 =	rddreg [dreg:$0x2]  }
0x4: {  	s0 =	rddreg [dreg:$0x3]  }
0x5: {  	s2 =	simm.s32 $0x0;
	s6 =	stileid.u32;
	s5 =	srdreg.scid  }
0x6: {  	s11 =	simm.s32 $0x0;
	[smem:$0x7FF] =	sst s2;
	s7 =	sshll.u32 s6, $0xB  }
0x7: {  	s5 =	sand.u32 $0x1, s5;
	p0 =	sne.s32 s6, $0x0;
	s6 =	simm.s32 $0x2780  }
0x8: {  	s3 =	sadd.s32 s7, s3;
	s31 =	ssub.s32 $0x2, s5;
	s8 =	sshll.u32 s5, $0xF  }
0x9: {  	_ =	strace $0x80000047;
	s5 =	sshll.u32 s5, $0x4;
	s10 =	sshrl.u32 @!p0 s1, $0x3  }
0xa: {  	s9 =	sshrl.u32 s31, $0x1;
	s3 =	sadd.s32 s8, s3;
	s4 =	sadd.s32 s4, s5  }
0xb: {  	s8 =	simm.s32 $0x50;
	s7 =	ssub.s32 s31, s9;
	s3 =	sadd.s32 $0x1E00, s3  }
0xc: {  	v0 =	vimm.f32 $1.000000000e+00;
	v1 =	vimm.f32 $0.0e+00;
	s9 =	simm.s32 $0x6780;
	s5 =	smax.u32 s7, $0x1;
	s7 =	simm.s32 $0x1  }
.LBB2_1:
0xd: {  	[tilespmem:s6], [sflag:$0x1] =	stream.linear.gather [hbm4b:s3+s2], $0x3E80, $0x38;
	[tilespmem:$0x6A78] =	vst v63  }
0xe: {  	_ =	swait.ge [sflag:s7], $0x3E80  }
0xf: {  	[sflag:s7] =	ssyncset.done $0x0  }
0x10: {  	[sflag:s7] =	ssyncadd.s32 $0xFFFFC180  }
.Ltmp0:
0x11: {  	[tilespmem:$0x6780] =	vst v0;
	(pc) =	sbr.rel @p0 .LBB2_5-.Ltmp0, $4  }
0x12: {  	[tilespmem:$0x6790] =	vst v0  }
0x13: {  	[tilespmem:$0x67A0] =	vst v0  }
0x14: {  	[tilespmem:$0x67B0] =	vst v0  }
0x15: {  	[tilespmem:$0x67C0] =	vst v0  }
0x16: {  	s12 =	simm.s32 $0x40;
	s13 =	simm.s32 $0x0  }
.LBB2_3:
0x17: {  	p1 =	sne.s32 s12, $0x9C00;
	[tilespmem:s13+$0x0] =	vst v1;
	s13 =	smov.u32 s12;
	s12 =	sadd.s32 $0x40, s12  }
.Ltmp1:
0x18: {  	(pc) =	sbr.rel @p1 .LBB2_3-.Ltmp1, $2  }
0x19: {  	_ =	sdelay $0x2  }
0x1a: {  	s13 =	sshra.s32 s13, $0x2  }
0x1b: {  	[tilespmem:s13+$0x0] =	vst v1  }
0x1c: {  	[spmem:s1] =	stream.linear.scatter [tilespmem:s2], [sflag:$0x1], $0x2780, $0x38;
	[tilespmem:$0x6A78] =	vst v63  }
0x1d: {  	_ =	swait.ge [sflag:s7], $0x2780  }
0x1e: {  	[sflag:s7] =	ssyncset.done $0x0  }
0x1f: {  	[sflag:s7] =	ssyncadd.s32 $0xFFFFD880  }
.LBB2_5:
0x20: {  	[bflag:$0x0] =	sbarrier.arrive $0xFFFF;
	s12 =	simm.s32 $0x2780  }
0x21: {  	[spmem:s1] =	stream.indirect.scatter.add.f32 [tilespmem:s9], [sflag:$0x1], $0x1, s12, s8, $0xb8;
	[tilespmem:$0x6A78] =	vst v63  }
0x22: {  	s12 =	simm.s32 $0x200;
	_ =	swait.ge [sflag:s7], $0x50  }
.LBB2_6:
0x23: {  	s13 =	sshra.s32 s12, $0x2;
	[sflag:s7] =	ssyncset.done $0x0;
	p1 =	sne.s32 s12, $0xF800  }
.Ltmp2:
0x24: {  	s13 =	sadd.s32 $0x2780, s13;
	[sflag:s7] =	ssyncadd.s32 $0xFFFFFFB0;
	(pc) =	sbr.rel @p1 .LBB2_6-.Ltmp2, $3  }
0x25: {  	[spmem:s1] =	stream.indirect.scatter.add.f32 [tilespmem:s9], [sflag:$0x1], $0x1, s13, s8, $0xb8;
	[tilespmem:$0x6A78] =	vst v63  }
0x26: {  	s12 =	sadd.s32 $0x200, s12;
	_ =	sdelay $0x1  }
0x27: {  	_ =	swait.ge [sflag:s7], $0x50  }
0x28: {  	[sflag:s7] =	ssyncset.done $0x0  }
0x29: {  	s12 =	simm.s32 @!p0 $0x1;
	s13 =	simm.s32 @!p0 $0x20;
	s11 =	sadd.s32 $0x1, s11  }
0x2a: {  	s14 =	simm.s32 @!p0 $0x10;
	[sflag:s7] =	ssyncadd.s32 $0xFFFFFFB0;
	p1 =	sne.s32 s11, s5  }
.Ltmp3:
0x2b: {  	s15 =	simm.s32 @!p0 $0x1C01;
	[bflag:$0x0] =	sbarrier.arrive $0xFFFF;
	(pc) =	sbr.rel @p1 .LBB2_1-.Ltmp3, $4  }
0x2c: {  	[hbm:s4@s13], [sflag:s15] =	dma.strided @!p0 [spmem:s10@s14], $0x4F0, s12, $0x10   }
0x2d: {  	_ =	swait.ge @!p0 [sflag:s12], $0x4F0  }
0x2e: {  	[sflag:s12] =	ssyncset.done @!p0 $0x0  }
0x2f: {  	[sflag:s12] =	ssyncadd.s32 @!p0 $0xFFFFFB10  }
0x30: {  	_ =	sfence.sel $0x180000  }
0x31: {  	[bflag:$0x0] =	sbarrier.arrive $0xFFFF  }
0x32: {  	_ =	strace $0x90000047  }
0x33: {  	s0 =	sadd.s32 @!p0 $0x100000, s0;
	[bflag:$0x2] =	sbarrier.arrive $0xFFFF  }
0x34: {  	[sflag:s0] =	ssyncadd.tile.s32 @!p0 $0x1;
	_ =	shalt  }
.Lfunc_end2:
_tile_overlayer_lowered:
.L_overlay_start_2:
0x35: {  	(tag) =	ssettag $0x2  }
0x36: {  	s0 =	rddreg [dreg:$0x0];
	s2 =	stileid.u32  }
0x37: {  	s1 =	rddreg [dreg:$0x1];
	p0 =	sne.s32 s2, $0x0  }
0x38: {  	s3 =	rddreg [dreg:$0x2];
	[bflag:$0x3] =	sbarrier.arrive $0xFFFF;
	s2 =	simm.s32 @!p0 $0x1C01  }
0x39: {  	[timem:s3], [sflag:s2] =	dma.local @!p0 [hbm:s0], s1  }
0x3a: {  	s0 =	simm.s32 @!p0 $0x1  }
0x3b: {  	_ =	swait.ge @!p0 [sflag:s0], s1  }
0x3c: {  	s1 =	ssub.s32 @!p0 $0x0, s1;
	[sflag:s0] =	ssyncset.done @!p0 $0x0  }
0x3d: {  	[sflag:s0] =	ssyncadd.s32 @!p0 s1  }
0x3e: {  	[bflag:$0x3] =	sbarrier.arrive $0xFFFF  }
0x3f: {  	_ =	shalt  }

</sc_bundles>
